<compile_context>
chip_gen: v7x
topology: tpu7x:2x2x1
jax: 0.10.2.dev20260603
libtpu: 0.0.44.dev20260713+nightly
codegen_flags: <defaults>
</compile_context>

<pallas_src>
import functools

import jax
import jax.numpy as jnp
from jax import lax
from jax.experimental import pallas as pl
from jax.experimental.pallas import tpu as pltpu
from jax.experimental.pallas import tpu_sc as plsc

_N = 10000
_D = 128
_DE = 144
_E = 160000
_BLK = 400
_CHUNK = 80
_TILES = 16
_NPAD = 10240
_RPT = _NPAD // _TILES
_EPT = _E // _TILES
_NCHUNK = _EPT // _CHUNK
_IBLK = 2000
_BCHUNK = _IBLK // _CHUNK


def _inp_body(x_ref, w_ref, b_ref, o_ref):
    h = (
        jnp.dot(x_ref[...], w_ref[...], preferred_element_type=jnp.float32)
        + b_ref[...]
    )
    lane = lax.broadcasted_iota(jnp.int32, (_BLK, _DE - _D), 1)
    o_ref[:, : _D] = h
    o_ref[:, _D :] = jnp.where(lane == 0, 1.0, 0.0)


def _input_linear(x, W_inp, b_inp):
    return pl.pallas_call(
        _inp_body,
        grid=(_N // _BLK,),
        in_specs=[
            pl.BlockSpec((_BLK, _D), lambda i: (i, 0)),
            pl.BlockSpec((_D, _D), lambda i: (0, 0)),
            pl.BlockSpec((1, _D), lambda i: (0, 0)),
        ],
        out_specs=pl.BlockSpec((_BLK, _DE), lambda i: (i, 0)),
        out_shape=jax.ShapeDtypeStruct((_N, _DE), jnp.float32),
    )(x, W_inp, b_inp.reshape(1, _D))


def _sc_body(h_hbm, s0_hbm, d0_hbm, s1_hbm, d1_hbm,
             agg0_hbm, agg1_hbm,
             src_all, dst_all, rows_a, rows_b, agg_sh,
             sem_ga, sem_gb, sem_sa, sem_sb):
    cid = lax.axis_index("c")
    tid = lax.axis_index("s")
    base_row = tid * _RPT

    zeros16 = jnp.zeros((16,), jnp.float32)

    def _zero_rows(i, _):
        for k in range(_DE // 16):
            rows_a[i, pl.ds(k * 16, 16)] = zeros16
        return 0

    lax.fori_loop(0, _CHUNK, _zero_rows, 0)

    for k in range(_RPT // _CHUNK):
        pltpu.sync_copy(rows_a, agg_sh.at[pl.ds(base_row + k * _CHUNK, _CHUNK)])
    plsc.subcore_barrier()

    def _process(src_hbm, dst_hbm):
        def _src(c):
            return src_all.at[pl.ds(c * _CHUNK, _CHUNK)]

        def _dst(c):
            return dst_all.at[pl.ds(c * _CHUNK, _CHUNK)]

        def _start_g(c, rows, sem):
            pltpu.async_copy(h_hbm.at[_src(c)], rows, sem)

        def _wait_g(c, rows, sem):
            pltpu.make_async_copy(h_hbm.at[_src(c)], rows, sem).wait()

        def _start_s(c, rows, sem):
            pltpu.async_copy(rows, agg_sh.at[_dst(c)], sem, add=True)

        def _wait_s(c, rows, sem):
            pltpu.make_async_copy(rows, agg_sh.at[_dst(c)], sem).wait()

        def _block(b, _):
            off = tid * _EPT + b * _IBLK
            pltpu.sync_copy(src_hbm.at[pl.ds(off, _IBLK)], src_all)
            pltpu.sync_copy(dst_hbm.at[pl.ds(off, _IBLK)], dst_all)

            _start_g(0, rows_a, sem_ga)

            def _finish(c, rows, sem):
                _wait_g(c, rows, sem)
                pltpu.sync_copy(rows, agg_sh.at[_dst(c)], add=True)

            def body(j, _):
                c0 = 2 * j
                _start_g(c0 + 1, rows_b, sem_gb)
                _finish(c0, rows_a, sem_ga)

                @pl.when(c0 + 2 < _BCHUNK)
                def _():
                    _start_g(c0 + 2, rows_a, sem_ga)

                _finish(c0 + 1, rows_b, sem_gb)
                return 0

            lax.fori_loop(0, _BCHUNK // 2, body, 0)
            if _BCHUNK % 2 == 1:
                _finish(_BCHUNK - 1, rows_a, sem_ga)
            return 0

        lax.fori_loop(0, _EPT // _IBLK, _block, 0)

    @pl.when(cid == 0)
    def _():
        _process(s0_hbm, d0_hbm)

    @pl.when(cid == 1)
    def _():
        _process(s1_hbm, d1_hbm)

    plsc.subcore_barrier()

    def _writeback(agg_hbm):
        sl = pl.ds(base_row, _RPT)
        pltpu.sync_copy(agg_sh.at[sl], agg_hbm.at[sl])

    @pl.when(cid == 0)
    def _():
        _writeback(agg0_hbm)

    @pl.when(cid == 1)
    def _():
        _writeback(agg1_hbm)


@functools.cache
def _make_sc_segments():
    return functools.partial(
        pl.kernel,
        out_type=(
            jax.ShapeDtypeStruct((_NPAD, _DE), jnp.float32),
            jax.ShapeDtypeStruct((_NPAD, _DE), jnp.float32),
        ),
        mesh=plsc.VectorSubcoreMesh(core_axis_name="c", subcore_axis_name="s"),
        compiler_params=pltpu.CompilerParams(use_tc_tiling_on_sc=False),
        scratch_types=[
            pltpu.VMEM((_IBLK,), jnp.int32),
            pltpu.VMEM((_IBLK,), jnp.int32),
            pltpu.VMEM((_CHUNK, _DE), jnp.float32),
            pltpu.VMEM((_CHUNK, _DE), jnp.float32),
            pltpu.VMEM_SHARED((_NPAD, _DE), jnp.float32),
            pltpu.SemaphoreType.DMA,
            pltpu.SemaphoreType.DMA,
            pltpu.SemaphoreType.DMA,
            pltpu.SemaphoreType.DMA,
        ],
    )(_sc_body)


def _head_body(agg0_ref, agg1_ref, basis_ref, wc_ref,
               hb_ref, w1_ref, b1_ref, wo_ref, bo_ref, o_ref):
    b0 = basis_ref[0]
    b1m = basis_ref[1]
    wr0 = wc_ref[0, 0] * b0 + wc_ref[0, 1] * b1m
    wr1 = wc_ref[1, 0] * b0 + wc_ref[1, 1] * b1m
    d0 = jnp.maximum(agg0_ref[:, _D : _D + 1], 1.0)
    d1 = jnp.maximum(agg1_ref[:, _D : _D + 1], 1.0)
    hc = (
        jnp.dot(agg0_ref[:, : _D] / d0, wr0, preferred_element_type=jnp.float32)
        + jnp.dot(agg1_ref[:, : _D] / d1, wr1, preferred_element_type=jnp.float32)
        + hb_ref[...]
    )
    hc = jnp.where(hc >= 0, hc, 0.01 * hc)
    h1 = jnp.dot(hc, w1_ref[...], preferred_element_type=jnp.float32) + b1_ref[...]
    h1 = jnp.where(h1 >= 0, h1, 0.01 * h1)
    lg = jnp.dot(h1, wo_ref[...], preferred_element_type=jnp.float32) + bo_ref[...]
    m = jnp.max(lg, axis=-1, keepdims=True)
    e = jnp.exp(lg - m)
    o_ref[...] = e / jnp.sum(e, axis=-1, keepdims=True)


def _head(agg0, agg1, basis, w_comp, h_bias, W1, b1, Wout, bout):
    full = lambda shape: pl.BlockSpec(shape, lambda i: tuple(0 for _ in shape))
    return pl.pallas_call(
        _head_body,
        grid=(_N // _BLK,),
        in_specs=[
            pl.BlockSpec((_BLK, _DE), lambda i: (i, 0)),
            pl.BlockSpec((_BLK, _DE), lambda i: (i, 0)),
            full((2, _D, _D)),
            full((2, 2)),
            full((1, _D)),
            full((_D, 64)),
            full((1, 64)),
            full((64, 16)),
            full((1, 16)),
        ],
        out_specs=pl.BlockSpec((_BLK, 16), lambda i: (i, 0)),
        out_shape=jax.ShapeDtypeStruct((_N, 16), jnp.float32),
    )(agg0, agg1, basis, w_comp, h_bias.reshape(1, _D),
      W1, b1.reshape(1, 64), Wout, bout.reshape(1, 16))


def kernel(x, edge_index_rel0, edge_index_rel1, W_inp, b_inp, basis, w_comp,
           h_bias, W1, b1, Wout, bout):
    h_ext = _input_linear(x, W_inp, b_inp)
    agg0, agg1 = _make_sc_segments()(
        h_ext,
        edge_index_rel0[0], edge_index_rel0[1],
        edge_index_rel1[0], edge_index_rel1[1],
    )
    return _head(agg0, agg1, basis, w_comp, h_bias, W1, b1, Wout, bout)

# --- scband reference (transcript-rebuilt; emitter-appended) ---
"""Pipeline reference for scband-tgcn-14963666059365 (READ-ONLY COPY).

The authoritative reference and input builder live on the scoring server;
editing this copy changes nothing except your own understanding.
"""

import jax, jax.numpy as jnp
import numpy as np

N = 10000      # nodes (single ntype 'node')
D = 128        # feat_size (input linear out dim)
H = 128        # h_dim
C = 16         # num_classes
E = 160000     # edges per relation
NR = 2         # num relations
NB = 2         # num bases
NFD = 128      # node_feat_dim['node']


def setup_inputs(seed: int = 0) -> dict:
    key = jax.random.key(seed)
    ks = jax.random.split(key, 13)
    x = jax.random.normal(ks[0], (N, NFD), dtype=jnp.float32)
    edge_index_rel0 = jax.random.randint(ks[1], (2, E), 0, N, dtype=jnp.int32)
    edge_index_rel1 = jax.random.randint(ks[2], (2, E), 0, N, dtype=jnp.int32)
    # input per-ntype linear
    W_inp = jax.random.normal(ks[3], (NFD, D), dtype=jnp.float32) * (1.0 / np.sqrt(NFD))
    b_inp = jnp.zeros((D,), dtype=jnp.float32)
    # basis decomposition weights of RelGraphConvLayer
    basis = jax.random.normal(ks[4], (NB, D, H), dtype=jnp.float32) * (1.0 / np.sqrt(D))
    w_comp = jax.random.normal(ks[5], (NR, NB), dtype=jnp.float32) * (1.0 / np.sqrt(NB))
    h_bias = jnp.zeros((H,), dtype=jnp.float32)
    # linear_layer1 and out_layer for ntype 'node'
    W1 = jax.random.normal(ks[6], (H, H // 2), dtype=jnp.float32) * (1.0 / np.sqrt(H))
    b1 = jnp.zeros((H // 2,), dtype=jnp.float32)
    Wout = jax.random.normal(ks[7], (H // 2, C), dtype=jnp.float32) * (1.0 / np.sqrt(H // 2))
    bout = jnp.zeros((C,), dtype=jnp.float32)
    return {
        "x": x,
        "edge_index_rel0": edge_index_rel0,
        "edge_index_rel1": edge_index_rel1,
        "W_inp": W_inp, "b_inp": b_inp,
        "basis": basis, "w_comp": w_comp, "h_bias": h_bias,
        "W1": W1, "b1": b1, "Wout": Wout, "bout": bout,
    }


def _rel_conv(h, ei, W):
    # DGL GraphConv(norm='right', weight=W, bias=False):
    # aggregate messages by dst, divide by in-degree (clamped to 1), then matmul
    src, dst = ei[0], ei[1]
    m = jnp.take(h, src, axis=0)
    agg = jax.ops.segment_sum(m, dst, num_segments=N)
    deg = jax.ops.segment_sum(jnp.ones((ei.shape[1],), h.dtype), dst, num_segments=N)
    deg = jnp.clip(deg, 1.0, None)
    return (agg / deg[:, None]) @ W


def reference(x, edge_index_rel0, edge_index_rel1, W_inp, b_inp, basis, w_comp, h_bias, W1, b1, Wout, bout):
    # input layer per ntype
    h = x @ W_inp + b_inp
    # WeightBasis: weight[r] = sum_b w_comp[r,b] * basis[b]
    weight = (w_comp @ basis.reshape(NB, -1)).reshape(NR, D, H)
    # RelGraphConvLayer (HeteroGraphConv, aggregate='sum'); no self-loop, dropout=0
    hc = _rel_conv(h, edge_index_rel0, weight[0]) + _rel_conv(h, edge_index_rel1, weight[1])
    hc = hc + h_bias
    hc = jax.nn.leaky_relu(hc, negative_slope=0.01)
    # linear_layer1: Linear -> Dropout(0) -> LeakyReLU
    h1 = hc @ W1 + b1
    h1 = jax.nn.leaky_relu(h1, negative_slope=0.01)
    # out_layer: Linear -> Dropout(0) -> Softmax
    out = jax.nn.softmax(h1 @ Wout + bout, axis=-1)
    return out

if __name__ == "__main__":
    import jax
    _d = setup_inputs()
    print(jax.jit(kernel)(*tuple(_d.values())))

</pallas_src>

<mosaic_0001>
#map = affine_map<(d0, d1) -> (0, 0)>
#map1 = affine_map<(d0, d1) -> (0)>
module attributes {stable_mosaic.version = 14 : i64} {
  func.func @_sc_body(%arg0: i32, %arg1: i32, %arg2: memref<10000x144xf32, #tpu.memory_space<hbm>>, %arg3: memref<160000xi32, #tpu.memory_space<hbm>>, %arg4: memref<160000xi32, #tpu.memory_space<hbm>>, %arg5: memref<160000xi32, #tpu.memory_space<hbm>>, %arg6: memref<160000xi32, #tpu.memory_space<hbm>>, %arg7: memref<10240x144xf32, #tpu.memory_space<hbm>>, %arg8: memref<10240x144xf32, #tpu.memory_space<hbm>>, %arg9: memref<2000xi32, #tpu.memory_space<vmem>>, %arg10: memref<2000xi32, #tpu.memory_space<vmem>>, %arg11: memref<80x144xf32, #tpu.memory_space<vmem>>, %arg12: memref<80x144xf32, #tpu.memory_space<vmem>>, %arg13: memref<10240x144xf32, #tpu.memory_space<vmem_shared>>, %arg14: memref<!tpu.dma_semaphore, #tpu.memory_space<semaphore_mem>>, %arg15: memref<!tpu.dma_semaphore, #tpu.memory_space<semaphore_mem>>, %arg16: memref<!tpu.dma_semaphore, #tpu.memory_space<semaphore_mem>>, %arg17: memref<!tpu.dma_semaphore, #tpu.memory_space<semaphore_mem>>) attributes {dimension_semantics = [#tpu.dimension_semantics<core_parallel>, #tpu.dimension_semantics<subcore_parallel>], iteration_bounds = array<i64: 2, 16>, scalar_prefetch = 0 : i64, scratch_operands = 9 : i64, tpu.core_type = #tpu.core_type<sc_vector_subcore>, window_params = [{transform_indices = #map}, {transform_indices = #map1}, {transform_indices = #map1}, {transform_indices = #map1}, {transform_indices = #map1}, {transform_indices = #map}, {transform_indices = #map}]} {
    %mul3A = arith.constant 640 : i32
    %mul3A_0 = arith.muli %arg1, %mul3A : i32
    %broadcast_in_dim3A = arith.constant 0.000000e+00 : f32
    %broadcast_in_dim3A_1 = vector.broadcast %broadcast_in_dim3A : f32 to vector<16xf32>
    %scan3A = arith.constant 0 : i32
    %scan3A_2 = arith.constant 0 : i32
    %scan3A_3 = arith.constant 80 : i32
    %scan3A_4 = arith.addi %scan3A_2, %scan3A_3 : i32
    %scan3A_5 = arith.constant 1 : i32
    %scan3A_6 = scf.for %scan3A_41 = %scan3A_2 to %scan3A_4 step %scan3A_5 iter_args(%scan3A_42 = %scan3A) -> (i32)  : i32 {
      %swap3A = arith.index_cast %scan3A_41 : i32 to index
      %swap3A_43 = arith.constant 0 : index
      %swap3A_44 = tpu.vector_load %arg11[%swap3A, %swap3A_43] {strides = array<i32>} : memref<80x144xf32, #tpu.memory_space<vmem>>, vector<1x16xf32>,
      %swap3A_45 = vector.shape_cast %swap3A_44 : vector<1x16xf32> to vector<16xf32>
      %swap3A_46 = vector.shape_cast %broadcast_in_dim3A_1 : vector<16xf32> to vector<1x16xf32>
      tpu.vector_store %arg11[%swap3A, %swap3A_43], %swap3A_46 {strides = array<i32>} : memref<80x144xf32, #tpu.memory_space<vmem>>, vector<1x16xf32>,
      %swap3A_47 = arith.index_cast %scan3A_41 : i32 to index
      %swap3A_48 = arith.constant 16 : index
      %swap3A_49 = tpu.vector_load %arg11[%swap3A_47, %swap3A_48] {strides = array<i32>} : memref<80x144xf32, #tpu.memory_space<vmem>>, vector<1x16xf32>,
      %swap3A_50 = vector.shape_cast %swap3A_49 : vector<1x16xf32> to vector<16xf32>
      %swap3A_51 = vector.shape_cast %broadcast_in_dim3A_1 : vector<16xf32> to vector<1x16xf32>
      tpu.vector_store %arg11[%swap3A_47, %swap3A_48], %swap3A_51 {strides = array<i32>} : memref<80x144xf32, #tpu.memory_space<vmem>>, vector<1x16xf32>,
      %swap3A_52 = arith.index_cast %scan3A_41 : i32 to index
      %swap3A_53 = arith.constant 32 : index
      %swap3A_54 = tpu.vector_load %arg11[%swap3A_52, %swap3A_53] {strides = array<i32>} : memref<80x144xf32, #tpu.memory_space<vmem>>, vector<1x16xf32>,
      %swap3A_55 = vector.shape_cast %swap3A_54 : vector<1x16xf32> to vector<16xf32>
      %swap3A_56 = vector.shape_cast %broadcast_in_dim3A_1 : vector<16xf32> to vector<1x16xf32>
      tpu.vector_store %arg11[%swap3A_52, %swap3A_53], %swap3A_56 {strides = array<i32>} : memref<80x144xf32, #tpu.memory_space<vmem>>, vector<1x16xf32>,
      %swap3A_57 = arith.index_cast %scan3A_41 : i32 to index
      %swap3A_58 = arith.constant 48 : index
      %swap3A_59 = tpu.vector_load %arg11[%swap3A_57, %swap3A_58] {strides = array<i32>} : memref<80x144xf32, #tpu.memory_space<vmem>>, vector<1x16xf32>,
      %swap3A_60 = vector.shape_cast %swap3A_59 : vector<1x16xf32> to vector<16xf32>
      %swap3A_61 = vector.shape_cast %broadcast_in_dim3A_1 : vector<16xf32> to vector<1x16xf32>
      tpu.vector_store %arg11[%swap3A_57, %swap3A_58], %swap3A_61 {strides = array<i32>} : memref<80x144xf32, #tpu.memory_space<vmem>>, vector<1x16xf32>,
      %swap3A_62 = arith.index_cast %scan3A_41 : i32 to index
      %swap3A_63 = arith.constant 64 : index
      %swap3A_64 = tpu.vector_load %arg11[%swap3A_62, %swap3A_63] {strides = array<i32>} : memref<80x144xf32, #tpu.memory_space<vmem>>, vector<1x16xf32>,
      %swap3A_65 = vector.shape_cast %swap3A_64 : vector<1x16xf32> to vector<16xf32>
      %swap3A_66 = vector.shape_cast %broadcast_in_dim3A_1 : vector<16xf32> to vector<1x16xf32>
      tpu.vector_store %arg11[%swap3A_62, %swap3A_63], %swap3A_66 {strides = array<i32>} : memref<80x144xf32, #tpu.memory_space<vmem>>, vector<1x16xf32>,
      %swap3A_67 = arith.index_cast %scan3A_41 : i32 to index
      %swap3A_68 = arith.constant 80 : index
      %swap3A_69 = tpu.vector_load %arg11[%swap3A_67, %swap3A_68] {strides = array<i32>} : memref<80x144xf32, #tpu.memory_space<vmem>>, vector<1x16xf32>,
      %swap3A_70 = vector.shape_cast %swap3A_69 : vector<1x16xf32> to vector<16xf32>
      %swap3A_71 = vector.shape_cast %broadcast_in_dim3A_1 : vector<16xf32> to vector<1x16xf32>
      tpu.vector_store %arg11[%swap3A_67, %swap3A_68], %swap3A_71 {strides = array<i32>} : memref<80x144xf32, #tpu.memory_space<vmem>>, vector<1x16xf32>,
      %swap3A_72 = arith.index_cast %scan3A_41 : i32 to index
      %swap3A_73 = arith.constant 96 : index
      %swap3A_74 = tpu.vector_load %arg11[%swap3A_72, %swap3A_73] {strides = array<i32>} : memref<80x144xf32, #tpu.memory_space<vmem>>, vector<1x16xf32>,
      %swap3A_75 = vector.shape_cast %swap3A_74 : vector<1x16xf32> to vector<16xf32>
      %swap3A_76 = vector.shape_cast %broadcast_in_dim3A_1 : vector<16xf32> to vector<1x16xf32>
      tpu.vector_store %arg11[%swap3A_72, %swap3A_73], %swap3A_76 {strides = array<i32>} : memref<80x144xf32, #tpu.memory_space<vmem>>, vector<1x16xf32>,
      %swap3A_77 = arith.index_cast %scan3A_41 : i32 to index
      %swap3A_78 = arith.constant 112 : index
      %swap3A_79 = tpu.vector_load %arg11[%swap3A_77, %swap3A_78] {strides = array<i32>} : memref<80x144xf32, #tpu.memory_space<vmem>>, vector<1x16xf32>,
      %swap3A_80 = vector.shape_cast %swap3A_79 : vector<1x16xf32> to vector<16xf32>
      %swap3A_81 = vector.shape_cast %broadcast_in_dim3A_1 : vector<16xf32> to vector<1x16xf32>
      tpu.vector_store %arg11[%swap3A_77, %swap3A_78], %swap3A_81 {strides = array<i32>} : memref<80x144xf32, #tpu.memory_space<vmem>>, vector<1x16xf32>,
      %swap3A_82 = arith.index_cast %scan3A_41 : i32 to index
      %swap3A_83 = arith.constant 128 : index
      %swap3A_84 = tpu.vector_load %arg11[%swap3A_82, %swap3A_83] {strides = array<i32>} : memref<80x144xf32, #tpu.memory_space<vmem>>, vector<1x16xf32>,
      %swap3A_85 = vector.shape_cast %swap3A_84 : vector<1x16xf32> to vector<16xf32>
      %swap3A_86 = vector.shape_cast %broadcast_in_dim3A_1 : vector<16xf32> to vector<1x16xf32>
      tpu.vector_store %arg11[%swap3A_82, %swap3A_83], %swap3A_86 {strides = array<i32>} : memref<80x144xf32, #tpu.memory_space<vmem>>, vector<1x16xf32>,
      %scan3A_87 = arith.constant 0 : i32
      scf.yield %scan3A_87 : i32
    }
    %scan3A_7 = arith.constant 80 : i32
    %add3A = arith.constant 0 : i32
    %add3A_8 = arith.addi %mul3A_0, %add3A : i32
    "tpu.region"() ({
      %run_scoped3A = tpu.sem_alloc : memref<!tpu.dma_semaphore, #tpu.memory_space<semaphore_mem>>
      %dma_start3A = arith.constant 0 : i32
      %dma_start3A_41 = tpu.memref_slice %arg13[%add3A_8, %dma_start3A] : memref<10240x144xf32, #tpu.memory_space<vmem_shared>> -> memref<80x144xf32, #tpu.memory_space<vmem_shared>>
      %dma_start3A_42 = arith.constant 0 : i32
      %dma_start3A_43 = tpu.memref_slice %arg13[%add3A_8, %dma_start3A_42] : memref<10240x144xf32, #tpu.memory_space<vmem_shared>> -> memref<80x144xf32, #tpu.memory_space<vmem_shared>>
      tpu.enqueue_dma source(%arg11 : memref<80x144xf32, #tpu.memory_space<vmem>>) target(%dma_start3A_43 : memref<80x144xf32, #tpu.memory_space<vmem_shared>>) target_semaphore(%run_scoped3A : memref<!tpu.dma_semaphore, #tpu.memory_space<semaphore_mem>>)
      %dma_wait3A = arith.constant 0 : i32
      %dma_wait3A_44 = tpu.memref_slice %arg13[%add3A_8, %dma_wait3A] : memref<10240x144xf32, #tpu.memory_space<vmem_shared>> -> memref<80x144xf32, #tpu.memory_space<vmem_shared>>
      %dma_wait3A_45 = arith.constant 0 : i32
      %dma_wait3A_46 = tpu.memref_slice %arg13[%add3A_8, %dma_wait3A_45] : memref<10240x144xf32, #tpu.memory_space<vmem_shared>> -> memref<80x144xf32, #tpu.memory_space<vmem_shared>>
      tpu.wait_dma2 semaphore(%run_scoped3A : memref<!tpu.dma_semaphore, #tpu.memory_space<semaphore_mem>>) src(%arg11 : memref<80x144xf32, #tpu.memory_space<vmem>>) dst(%dma_wait3A_46 : memref<80x144xf32, #tpu.memory_space<vmem_shared>>)
      tpu.yield
    }) : () -> ()
    %add3A_9 = arith.constant 80 : i32
    %add3A_10 = arith.addi %mul3A_0, %add3A_9 : i32
    "tpu.region"() ({
      %run_scoped3A = tpu.sem_alloc : memref<!tpu.dma_semaphore, #tpu.memory_space<semaphore_mem>>
      %dma_start3A = arith.constant 0 : i32
      %dma_start3A_41 = tpu.memref_slice %arg13[%add3A_10, %dma_start3A] : memref<10240x144xf32, #tpu.memory_space<vmem_shared>> -> memref<80x144xf32, #tpu.memory_space<vmem_shared>>
      %dma_start3A_42 = arith.constant 0 : i32
      %dma_start3A_43 = tpu.memref_slice %arg13[%add3A_10, %dma_start3A_42] : memref<10240x144xf32, #tpu.memory_space<vmem_shared>> -> memref<80x144xf32, #tpu.memory_space<vmem_shared>>
      tpu.enqueue_dma source(%arg11 : memref<80x144xf32, #tpu.memory_space<vmem>>) target(%dma_start3A_43 : memref<80x144xf32, #tpu.memory_space<vmem_shared>>) target_semaphore(%run_scoped3A : memref<!tpu.dma_semaphore, #tpu.memory_space<semaphore_mem>>)
      %dma_wait3A = arith.constant 0 : i32
      %dma_wait3A_44 = tpu.memref_slice %arg13[%add3A_10, %dma_wait3A] : memref<10240x144xf32, #tpu.memory_space<vmem_shared>> -> memref<80x144xf32, #tpu.memory_space<vmem_shared>>
      %dma_wait3A_45 = arith.constant 0 : i32
      %dma_wait3A_46 = tpu.memref_slice %arg13[%add3A_10, %dma_wait3A_45] : memref<10240x144xf32, #tpu.memory_space<vmem_shared>> -> memref<80x144xf32, #tpu.memory_space<vmem_shared>>
      tpu.wait_dma2 semaphore(%run_scoped3A : memref<!tpu.dma_semaphore, #tpu.memory_space<semaphore_mem>>) src(%arg11 : memref<80x144xf32, #tpu.memory_space<vmem>>) dst(%dma_wait3A_46 : memref<80x144xf32, #tpu.memory_space<vmem_shared>>)
      tpu.yield
    }) : () -> ()
    %add3A_11 = arith.constant 160 : i32
    %add3A_12 = arith.addi %mul3A_0, %add3A_11 : i32
    "tpu.region"() ({
      %run_scoped3A = tpu.sem_alloc : memref<!tpu.dma_semaphore, #tpu.memory_space<semaphore_mem>>
      %dma_start3A = arith.constant 0 : i32
      %dma_start3A_41 = tpu.memref_slice %arg13[%add3A_12, %dma_start3A] : memref<10240x144xf32, #tpu.memory_space<vmem_shared>> -> memref<80x144xf32, #tpu.memory_space<vmem_shared>>
      %dma_start3A_42 = arith.constant 0 : i32
      %dma_start3A_43 = tpu.memref_slice %arg13[%add3A_12, %dma_start3A_42] : memref<10240x144xf32, #tpu.memory_space<vmem_shared>> -> memref<80x144xf32, #tpu.memory_space<vmem_shared>>
      tpu.enqueue_dma source(%arg11 : memref<80x144xf32, #tpu.memory_space<vmem>>) target(%dma_start3A_43 : memref<80x144xf32, #tpu.memory_space<vmem_shared>>) target_semaphore(%run_scoped3A : memref<!tpu.dma_semaphore, #tpu.memory_space<semaphore_mem>>)
      %dma_wait3A = arith.constant 0 : i32
      %dma_wait3A_44 = tpu.memref_slice %arg13[%add3A_12, %dma_wait3A] : memref<10240x144xf32, #tpu.memory_space<vmem_shared>> -> memref<80x144xf32, #tpu.memory_space<vmem_shared>>
      %dma_wait3A_45 = arith.constant 0 : i32
      %dma_wait3A_46 = tpu.memref_slice %arg13[%add3A_12, %dma_wait3A_45] : memref<10240x144xf32, #tpu.memory_space<vmem_shared>> -> memref<80x144xf32, #tpu.memory_space<vmem_shared>>
      tpu.wait_dma2 semaphore(%run_scoped3A : memref<!tpu.dma_semaphore, #tpu.memory_space<semaphore_mem>>) src(%arg11 : memref<80x144xf32, #tpu.memory_space<vmem>>) dst(%dma_wait3A_46 : memref<80x144xf32, #tpu.memory_space<vmem_shared>>)
      tpu.yield
    }) : () -> ()
    %add3A_13 = arith.constant 240 : i32
    %add3A_14 = arith.addi %mul3A_0, %add3A_13 : i32
    "tpu.region"() ({
      %run_scoped3A = tpu.sem_alloc : memref<!tpu.dma_semaphore, #tpu.memory_space<semaphore_mem>>
      %dma_start3A = arith.constant 0 : i32
      %dma_start3A_41 = tpu.memref_slice %arg13[%add3A_14, %dma_start3A] : memref<10240x144xf32, #tpu.memory_space<vmem_shared>> -> memref<80x144xf32, #tpu.memory_space<vmem_shared>>
      %dma_start3A_42 = arith.constant 0 : i32
      %dma_start3A_43 = tpu.memref_slice %arg13[%add3A_14, %dma_start3A_42] : memref<10240x144xf32, #tpu.memory_space<vmem_shared>> -> memref<80x144xf32, #tpu.memory_space<vmem_shared>>
      tpu.enqueue_dma source(%arg11 : memref<80x144xf32, #tpu.memory_space<vmem>>) target(%dma_start3A_43 : memref<80x144xf32, #tpu.memory_space<vmem_shared>>) target_semaphore(%run_scoped3A : memref<!tpu.dma_semaphore, #tpu.memory_space<semaphore_mem>>)
      %dma_wait3A = arith.constant 0 : i32
      %dma_wait3A_44 = tpu.memref_slice %arg13[%add3A_14, %dma_wait3A] : memref<10240x144xf32, #tpu.memory_space<vmem_shared>> -> memref<80x144xf32, #tpu.memory_space<vmem_shared>>
      %dma_wait3A_45 = arith.constant 0 : i32
      %dma_wait3A_46 = tpu.memref_slice %arg13[%add3A_14, %dma_wait3A_45] : memref<10240x144xf32, #tpu.memory_space<vmem_shared>> -> memref<80x144xf32, #tpu.memory_space<vmem_shared>>
      tpu.wait_dma2 semaphore(%run_scoped3A : memref<!tpu.dma_semaphore, #tpu.memory_space<semaphore_mem>>) src(%arg11 : memref<80x144xf32, #tpu.memory_space<vmem>>) dst(%dma_wait3A_46 : memref<80x144xf32, #tpu.memory_space<vmem_shared>>)
      tpu.yield
    }) : () -> ()
    %add3A_15 = arith.constant 320 : i32
    %add3A_16 = arith.addi %mul3A_0, %add3A_15 : i32
    "tpu.region"() ({
      %run_scoped3A = tpu.sem_alloc : memref<!tpu.dma_semaphore, #tpu.memory_space<semaphore_mem>>
      %dma_start3A = arith.constant 0 : i32
      %dma_start3A_41 = tpu.memref_slice %arg13[%add3A_16, %dma_start3A] : memref<10240x144xf32, #tpu.memory_space<vmem_shared>> -> memref<80x144xf32, #tpu.memory_space<vmem_shared>>
      %dma_start3A_42 = arith.constant 0 : i32
      %dma_start3A_43 = tpu.memref_slice %arg13[%add3A_16, %dma_start3A_42] : memref<10240x144xf32, #tpu.memory_space<vmem_shared>> -> memref<80x144xf32, #tpu.memory_space<vmem_shared>>
      tpu.enqueue_dma source(%arg11 : memref<80x144xf32, #tpu.memory_space<vmem>>) target(%dma_start3A_43 : memref<80x144xf32, #tpu.memory_space<vmem_shared>>) target_semaphore(%run_scoped3A : memref<!tpu.dma_semaphore, #tpu.memory_space<semaphore_mem>>)
      %dma_wait3A = arith.constant 0 : i32
      %dma_wait3A_44 = tpu.memref_slice %arg13[%add3A_16, %dma_wait3A] : memref<10240x144xf32, #tpu.memory_space<vmem_shared>> -> memref<80x144xf32, #tpu.memory_space<vmem_shared>>
      %dma_wait3A_45 = arith.constant 0 : i32
      %dma_wait3A_46 = tpu.memref_slice %arg13[%add3A_16, %dma_wait3A_45] : memref<10240x144xf32, #tpu.memory_space<vmem_shared>> -> memref<80x144xf32, #tpu.memory_space<vmem_shared>>
      tpu.wait_dma2 semaphore(%run_scoped3A : memref<!tpu.dma_semaphore, #tpu.memory_space<semaphore_mem>>) src(%arg11 : memref<80x144xf32, #tpu.memory_space<vmem>>) dst(%dma_wait3A_46 : memref<80x144xf32, #tpu.memory_space<vmem_shared>>)
      tpu.yield
    }) : () -> ()
    %add3A_17 = arith.constant 400 : i32
    %add3A_18 = arith.addi %mul3A_0, %add3A_17 : i32
    "tpu.region"() ({
      %run_scoped3A = tpu.sem_alloc : memref<!tpu.dma_semaphore, #tpu.memory_space<semaphore_mem>>
      %dma_start3A = arith.constant 0 : i32
      %dma_start3A_41 = tpu.memref_slice %arg13[%add3A_18, %dma_start3A] : memref<10240x144xf32, #tpu.memory_space<vmem_shared>> -> memref<80x144xf32, #tpu.memory_space<vmem_shared>>
      %dma_start3A_42 = arith.constant 0 : i32
      %dma_start3A_43 = tpu.memref_slice %arg13[%add3A_18, %dma_start3A_42] : memref<10240x144xf32, #tpu.memory_space<vmem_shared>> -> memref<80x144xf32, #tpu.memory_space<vmem_shared>>
      tpu.enqueue_dma source(%arg11 : memref<80x144xf32, #tpu.memory_space<vmem>>) target(%dma_start3A_43 : memref<80x144xf32, #tpu.memory_space<vmem_shared>>) target_semaphore(%run_scoped3A : memref<!tpu.dma_semaphore, #tpu.memory_space<semaphore_mem>>)
      %dma_wait3A = arith.constant 0 : i32
      %dma_wait3A_44 = tpu.memref_slice %arg13[%add3A_18, %dma_wait3A] : memref<10240x144xf32, #tpu.memory_space<vmem_shared>> -> memref<80x144xf32, #tpu.memory_space<vmem_shared>>
      %dma_wait3A_45 = arith.constant 0 : i32
      %dma_wait3A_46 = tpu.memref_slice %arg13[%add3A_18, %dma_wait3A_45] : memref<10240x144xf32, #tpu.memory_space<vmem_shared>> -> memref<80x144xf32, #tpu.memory_space<vmem_shared>>
      tpu.wait_dma2 semaphore(%run_scoped3A : memref<!tpu.dma_semaphore, #tpu.memory_space<semaphore_mem>>) src(%arg11 : memref<80x144xf32, #tpu.memory_space<vmem>>) dst(%dma_wait3A_46 : memref<80x144xf32, #tpu.memory_space<vmem_shared>>)
      tpu.yield
    }) : () -> ()
    %add3A_19 = arith.constant 480 : i32
    %add3A_20 = arith.addi %mul3A_0, %add3A_19 : i32
    "tpu.region"() ({
      %run_scoped3A = tpu.sem_alloc : memref<!tpu.dma_semaphore, #tpu.memory_space<semaphore_mem>>
      %dma_start3A = arith.constant 0 : i32
      %dma_start3A_41 = tpu.memref_slice %arg13[%add3A_20, %dma_start3A] : memref<10240x144xf32, #tpu.memory_space<vmem_shared>> -> memref<80x144xf32, #tpu.memory_space<vmem_shared>>
      %dma_start3A_42 = arith.constant 0 : i32
      %dma_start3A_43 = tpu.memref_slice %arg13[%add3A_20, %dma_start3A_42] : memref<10240x144xf32, #tpu.memory_space<vmem_shared>> -> memref<80x144xf32, #tpu.memory_space<vmem_shared>>
      tpu.enqueue_dma source(%arg11 : memref<80x144xf32, #tpu.memory_space<vmem>>) target(%dma_start3A_43 : memref<80x144xf32, #tpu.memory_space<vmem_shared>>) target_semaphore(%run_scoped3A : memref<!tpu.dma_semaphore, #tpu.memory_space<semaphore_mem>>)
      %dma_wait3A = arith.constant 0 : i32
      %dma_wait3A_44 = tpu.memref_slice %arg13[%add3A_20, %dma_wait3A] : memref<10240x144xf32, #tpu.memory_space<vmem_shared>> -> memref<80x144xf32, #tpu.memory_space<vmem_shared>>
      %dma_wait3A_45 = arith.constant 0 : i32
      %dma_wait3A_46 = tpu.memref_slice %arg13[%add3A_20, %dma_wait3A_45] : memref<10240x144xf32, #tpu.memory_space<vmem_shared>> -> memref<80x144xf32, #tpu.memory_space<vmem_shared>>
      tpu.wait_dma2 semaphore(%run_scoped3A : memref<!tpu.dma_semaphore, #tpu.memory_space<semaphore_mem>>) src(%arg11 : memref<80x144xf32, #tpu.memory_space<vmem>>) dst(%dma_wait3A_46 : memref<80x144xf32, #tpu.memory_space<vmem_shared>>)
      tpu.yield
    }) : () -> ()
    %add3A_21 = arith.constant 560 : i32
    %add3A_22 = arith.addi %mul3A_0, %add3A_21 : i32
    "tpu.region"() ({
      %run_scoped3A = tpu.sem_alloc : memref<!tpu.dma_semaphore, #tpu.memory_space<semaphore_mem>>
      %dma_start3A = arith.constant 0 : i32
      %dma_start3A_41 = tpu.memref_slice %arg13[%add3A_22, %dma_start3A] : memref<10240x144xf32, #tpu.memory_space<vmem_shared>> -> memref<80x144xf32, #tpu.memory_space<vmem_shared>>
      %dma_start3A_42 = arith.constant 0 : i32
      %dma_start3A_43 = tpu.memref_slice %arg13[%add3A_22, %dma_start3A_42] : memref<10240x144xf32, #tpu.memory_space<vmem_shared>> -> memref<80x144xf32, #tpu.memory_space<vmem_shared>>
      tpu.enqueue_dma source(%arg11 : memref<80x144xf32, #tpu.memory_space<vmem>>) target(%dma_start3A_43 : memref<80x144xf32, #tpu.memory_space<vmem_shared>>) target_semaphore(%run_scoped3A : memref<!tpu.dma_semaphore, #tpu.memory_space<semaphore_mem>>)
      %dma_wait3A = arith.constant 0 : i32
      %dma_wait3A_44 = tpu.memref_slice %arg13[%add3A_22, %dma_wait3A] : memref<10240x144xf32, #tpu.memory_space<vmem_shared>> -> memref<80x144xf32, #tpu.memory_space<vmem_shared>>
      %dma_wait3A_45 = arith.constant 0 : i32
      %dma_wait3A_46 = tpu.memref_slice %arg13[%add3A_22, %dma_wait3A_45] : memref<10240x144xf32, #tpu.memory_space<vmem_shared>> -> memref<80x144xf32, #tpu.memory_space<vmem_shared>>
      tpu.wait_dma2 semaphore(%run_scoped3A : memref<!tpu.dma_semaphore, #tpu.memory_space<semaphore_mem>>) src(%arg11 : memref<80x144xf32, #tpu.memory_space<vmem>>) dst(%dma_wait3A_46 : memref<80x144xf32, #tpu.memory_space<vmem_shared>>)
      tpu.yield
    }) : () -> ()
    %barrier3A = arith.constant 0 : index
    tpu.barrier barrier_id(%barrier3A)
    %eq3A = arith.constant 0 : i32
    %eq3A_23 = arith.cmpi eq, %arg0, %eq3A : i32
    %convert_element_type3A = arith.extui %eq3A_23 : i1 to i32
    %cond3A = arith.constant 0 : i32
    %cond3A_24 = arith.cmpi ne, %convert_element_type3A, %cond3A : i32
    scf.if %cond3A_24 {
      %scan3A_41 = arith.constant 0 : i32
      %scan3A_42 = arith.constant 0 : i32
      %scan3A_43 = arith.constant 5 : i32
      %scan3A_44 = arith.addi %scan3A_42, %scan3A_43 : i32
      %scan3A_45 = arith.constant 1 : i32
      %scan3A_46 = scf.for %scan3A_48 = %scan3A_42 to %scan3A_44 step %scan3A_45 iter_args(%scan3A_49 = %scan3A_41) -> (i32)  : i32 {
        %mul3A_50 = arith.constant 10000 : i32
        %mul3A_51 = arith.muli %arg1, %mul3A_50 : i32
        %mul3A_52 = arith.constant 2000 : i32
        %mul3A_53 = arith.muli %scan3A_48, %mul3A_52 : i32
        %add3A_54 = arith.addi %mul3A_51, %mul3A_53 : i32
        "tpu.region"() ({
          %run_scoped3A = tpu.sem_alloc : memref<!tpu.dma_semaphore, #tpu.memory_space<semaphore_mem>>
          %dma_start3A_71 = tpu.memref_slice %arg3[%add3A_54] : memref<160000xi32, #tpu.memory_space<hbm>> -> memref<2000xi32, #tpu.memory_space<hbm>>
          %dma_start3A_72 = tpu.memref_slice %arg3[%add3A_54] : memref<160000xi32, #tpu.memory_space<hbm>> -> memref<2000xi32, #tpu.memory_space<hbm>>
          tpu.enqueue_dma source(%dma_start3A_72 : memref<2000xi32, #tpu.memory_space<hbm>>) target(%arg9 : memref<2000xi32, #tpu.memory_space<vmem>>) target_semaphore(%run_scoped3A : memref<!tpu.dma_semaphore, #tpu.memory_space<semaphore_mem>>)
          %dma_wait3A_73 = tpu.memref_slice %arg3[%add3A_54] : memref<160000xi32, #tpu.memory_space<hbm>> -> memref<2000xi32, #tpu.memory_space<hbm>>
          %dma_wait3A_74 = tpu.memref_slice %arg3[%add3A_54] : memref<160000xi32, #tpu.memory_space<hbm>> -> memref<2000xi32, #tpu.memory_space<hbm>>
          tpu.wait_dma2 semaphore(%run_scoped3A : memref<!tpu.dma_semaphore, #tpu.memory_space<semaphore_mem>>) src(%dma_wait3A_74 : memref<2000xi32, #tpu.memory_space<hbm>>) dst(%arg9 : memref<2000xi32, #tpu.memory_space<vmem>>)
          tpu.yield
        }) : () -> ()
        "tpu.region"() ({
          %run_scoped3A = tpu.sem_alloc : memref<!tpu.dma_semaphore, #tpu.memory_space<semaphore_mem>>
          %dma_start3A_71 = tpu.memref_slice %arg4[%add3A_54] : memref<160000xi32, #tpu.memory_space<hbm>> -> memref<2000xi32, #tpu.memory_space<hbm>>
          %dma_start3A_72 = tpu.memref_slice %arg4[%add3A_54] : memref<160000xi32, #tpu.memory_space<hbm>> -> memref<2000xi32, #tpu.memory_space<hbm>>
          tpu.enqueue_dma source(%dma_start3A_72 : memref<2000xi32, #tpu.memory_space<hbm>>) target(%arg10 : memref<2000xi32, #tpu.memory_space<vmem>>) target_semaphore(%run_scoped3A : memref<!tpu.dma_semaphore, #tpu.memory_space<semaphore_mem>>)
          %dma_wait3A_73 = tpu.memref_slice %arg4[%add3A_54] : memref<160000xi32, #tpu.memory_space<hbm>> -> memref<2000xi32, #tpu.memory_space<hbm>>
          %dma_wait3A_74 = tpu.memref_slice %arg4[%add3A_54] : memref<160000xi32, #tpu.memory_space<hbm>> -> memref<2000xi32, #tpu.memory_space<hbm>>
          tpu.wait_dma2 semaphore(%run_scoped3A : memref<!tpu.dma_semaphore, #tpu.memory_space<semaphore_mem>>) src(%dma_wait3A_74 : memref<2000xi32, #tpu.memory_space<hbm>>) dst(%arg10 : memref<2000xi32, #tpu.memory_space<vmem>>)
          tpu.yield
        }) : () -> ()
        %dma_start3A = arith.constant 0 : i32
        %dma_start3A_55 = tpu.memref_slice %arg9[%dma_start3A] : memref<2000xi32, #tpu.memory_space<vmem>> -> memref<80xi32, #tpu.memory_space<vmem>>
        %dma_start3A_56 = arith.constant 0 : i32
        %dma_start3A_57 = arith.constant 0 : i32
        %dma_start3A_58 = tpu.memref_slice %arg2[%dma_start3A_56, %dma_start3A_57] : memref<10000x144xf32, #tpu.memory_space<hbm>> -> memref<10000x144xf32, #tpu.memory_space<hbm>>
        tpu.enqueue_indirect_dma source(%dma_start3A_58 : memref<10000x144xf32, #tpu.memory_space<hbm>>) target(%arg11 : memref<80x144xf32, #tpu.memory_space<vmem>>) offsets(%dma_start3A_55 : memref<80xi32, #tpu.memory_space<vmem>>) semaphore(%arg14 : memref<!tpu.dma_semaphore, #tpu.memory_space<semaphore_mem>>)
        %scan3A_59 = arith.constant 0 : i32
        %scan3A_60 = arith.constant 0 : i32
        %scan3A_61 = arith.constant 12 : i32
        %scan3A_62 = arith.addi %scan3A_60, %scan3A_61 : i32
        %scan3A_63 = arith.constant 1 : i32
        %scan3A_64 = scf.for %scan3A_71 = %scan3A_60 to %scan3A_62 step %scan3A_63 iter_args(%scan3A_72 = %scan3A_59) -> (i32)  : i32 {
          %mul3A_73 = arith.constant 2 : i32
          %mul3A_74 = arith.muli %mul3A_73, %scan3A_71 : i32
          %add3A_75 = arith.constant 1 : i32
          %add3A_76 = arith.addi %mul3A_74, %add3A_75 : i32
          %mul3A_77 = arith.constant 80 : i32
          %mul3A_78 = arith.muli %add3A_76, %mul3A_77 : i32
          %dma_start3A_79 = tpu.memref_slice %arg9[%mul3A_78] : memref<2000xi32, #tpu.memory_space<vmem>> -> memref<80xi32, #tpu.memory_space<vmem>>
          %dma_start3A_80 = arith.constant 0 : i32
          %dma_start3A_81 = arith.constant 0 : i32
          %dma_start3A_82 = tpu.memref_slice %arg2[%dma_start3A_80, %dma_start3A_81] : memref<10000x144xf32, #tpu.memory_space<hbm>> -> memref<10000x144xf32, #tpu.memory_space<hbm>>
          tpu.enqueue_indirect_dma source(%dma_start3A_82 : memref<10000x144xf32, #tpu.memory_space<hbm>>) target(%arg12 : memref<80x144xf32, #tpu.memory_space<vmem>>) offsets(%dma_start3A_79 : memref<80xi32, #tpu.memory_space<vmem>>) semaphore(%arg15 : memref<!tpu.dma_semaphore, #tpu.memory_space<semaphore_mem>>)
          %mul3A_83 = arith.constant 80 : i32
          %mul3A_84 = arith.muli %mul3A_74, %mul3A_83 : i32
          %dma_wait3A_85 = tpu.memref_slice %arg9[%mul3A_84] : memref<2000xi32, #tpu.memory_space<vmem>> -> memref<80xi32, #tpu.memory_space<vmem>>
          %dma_wait3A_86 = arith.constant 0 : i32
          %dma_wait3A_87 = arith.constant 0 : i32
          %dma_wait3A_88 = tpu.memref_slice %arg2[%dma_wait3A_86, %dma_wait3A_87] : memref<10000x144xf32, #tpu.memory_space<hbm>> -> memref<10000x144xf32, #tpu.memory_space<hbm>>
          tpu.wait_indirect_dma semaphore(%arg14 : memref<!tpu.dma_semaphore, #tpu.memory_space<semaphore_mem>>) src(%dma_wait3A_88 : memref<10000x144xf32, #tpu.memory_space<hbm>>) dst(%arg11 : memref<80x144xf32, #tpu.memory_space<vmem>>)
          %mul3A_89 = arith.constant 80 : i32
          %mul3A_90 = arith.muli %mul3A_74, %mul3A_89 : i32
          "tpu.region"() ({
            %run_scoped3A = tpu.sem_alloc : memref<!tpu.dma_semaphore, #tpu.memory_space<semaphore_mem>>
            %dma_start3A_108 = tpu.memref_slice %arg10[%mul3A_90] : memref<2000xi32, #tpu.memory_space<vmem>> -> memref<80xi32, #tpu.memory_space<vmem>>
            %dma_start3A_109 = arith.constant 0 : i32
            %dma_start3A_110 = arith.constant 0 : i32
            %dma_start3A_111 = tpu.memref_slice %arg13[%dma_start3A_109, %dma_start3A_110] : memref<10240x144xf32, #tpu.memory_space<vmem_shared>> -> memref<10240x144xf32, #tpu.memory_space<vmem_shared>>
            tpu.enqueue_indirect_dma source(%arg11 : memref<80x144xf32, #tpu.memory_space<vmem>>) target(%dma_start3A_111 : memref<10240x144xf32, #tpu.memory_space<vmem_shared>>) offsets(%dma_start3A_108 : memref<80xi32, #tpu.memory_space<vmem>>) semaphore(%run_scoped3A : memref<!tpu.dma_semaphore, #tpu.memory_space<semaphore_mem>>) {add = true}
            %dma_wait3A_112 = tpu.memref_slice %arg10[%mul3A_90] : memref<2000xi32, #tpu.memory_space<vmem>> -> memref<80xi32, #tpu.memory_space<vmem>>
            %dma_wait3A_113 = arith.constant 0 : i32
            %dma_wait3A_114 = arith.constant 0 : i32
            %dma_wait3A_115 = tpu.memref_slice %arg13[%dma_wait3A_113, %dma_wait3A_114] : memref<10240x144xf32, #tpu.memory_space<vmem_shared>> -> memref<10240x144xf32, #tpu.memory_space<vmem_shared>>
            tpu.wait_indirect_dma semaphore(%run_scoped3A : memref<!tpu.dma_semaphore, #tpu.memory_space<semaphore_mem>>) src(%arg11 : memref<80x144xf32, #tpu.memory_space<vmem>>) dst(%dma_wait3A_115 : memref<10240x144xf32, #tpu.memory_space<vmem_shared>>)
            tpu.yield
          }) : () -> ()
          %add3A_91 = arith.constant 2 : i32
          %add3A_92 = arith.addi %mul3A_74, %add3A_91 : i32
          %lt3A = arith.constant 25 : i32
          %lt3A_93 = arith.cmpi slt, %add3A_92, %lt3A : i32
          %convert_element_type3A_94 = arith.extui %lt3A_93 : i1 to i32
          %cond3A_95 = arith.constant 0 : i32
          %cond3A_96 = arith.cmpi ne, %convert_element_type3A_94, %cond3A_95 : i32
          scf.if %cond3A_96 {
            %add3A_108 = arith.constant 2 : i32
            %add3A_109 = arith.addi %mul3A_74, %add3A_108 : i32
            %mul3A_110 = arith.constant 80 : i32
            %mul3A_111 = arith.muli %add3A_109, %mul3A_110 : i32
            %dma_start3A_112 = tpu.memref_slice %arg9[%mul3A_111] : memref<2000xi32, #tpu.memory_space<vmem>> -> memref<80xi32, #tpu.memory_space<vmem>>
            %dma_start3A_113 = arith.constant 0 : i32
            %dma_start3A_114 = arith.constant 0 : i32
            %dma_start3A_115 = tpu.memref_slice %arg2[%dma_start3A_113, %dma_start3A_114] : memref<10000x144xf32, #tpu.memory_space<hbm>> -> memref<10000x144xf32, #tpu.memory_space<hbm>>
            tpu.enqueue_indirect_dma source(%dma_start3A_115 : memref<10000x144xf32, #tpu.memory_space<hbm>>) target(%arg11 : memref<80x144xf32, #tpu.memory_space<vmem>>) offsets(%dma_start3A_112 : memref<80xi32, #tpu.memory_space<vmem>>) semaphore(%arg14 : memref<!tpu.dma_semaphore, #tpu.memory_space<semaphore_mem>>)
          } else {
          }
          %add3A_97 = arith.constant 1 : i32
          %add3A_98 = arith.addi %mul3A_74, %add3A_97 : i32
          %mul3A_99 = arith.constant 80 : i32
          %mul3A_100 = arith.muli %add3A_98, %mul3A_99 : i32
          %dma_wait3A_101 = tpu.memref_slice %arg9[%mul3A_100] : memref<2000xi32, #tpu.memory_space<vmem>> -> memref<80xi32, #tpu.memory_space<vmem>>
          %dma_wait3A_102 = arith.constant 0 : i32
          %dma_wait3A_103 = arith.constant 0 : i32
          %dma_wait3A_104 = tpu.memref_slice %arg2[%dma_wait3A_102, %dma_wait3A_103] : memref<10000x144xf32, #tpu.memory_space<hbm>> -> memref<10000x144xf32, #tpu.memory_space<hbm>>
          tpu.wait_indirect_dma semaphore(%arg15 : memref<!tpu.dma_semaphore, #tpu.memory_space<semaphore_mem>>) src(%dma_wait3A_104 : memref<10000x144xf32, #tpu.memory_space<hbm>>) dst(%arg12 : memref<80x144xf32, #tpu.memory_space<vmem>>)
          %mul3A_105 = arith.constant 80 : i32
          %mul3A_106 = arith.muli %add3A_98, %mul3A_105 : i32
          "tpu.region"() ({
            %run_scoped3A = tpu.sem_alloc : memref<!tpu.dma_semaphore, #tpu.memory_space<semaphore_mem>>
            %dma_start3A_108 = tpu.memref_slice %arg10[%mul3A_106] : memref<2000xi32, #tpu.memory_space<vmem>> -> memref<80xi32, #tpu.memory_space<vmem>>
            %dma_start3A_109 = arith.constant 0 : i32
            %dma_start3A_110 = arith.constant 0 : i32
            %dma_start3A_111 = tpu.memref_slice %arg13[%dma_start3A_109, %dma_start3A_110] : memref<10240x144xf32, #tpu.memory_space<vmem_shared>> -> memref<10240x144xf32, #tpu.memory_space<vmem_shared>>
            tpu.enqueue_indirect_dma source(%arg12 : memref<80x144xf32, #tpu.memory_space<vmem>>) target(%dma_start3A_111 : memref<10240x144xf32, #tpu.memory_space<vmem_shared>>) offsets(%dma_start3A_108 : memref<80xi32, #tpu.memory_space<vmem>>) semaphore(%run_scoped3A : memref<!tpu.dma_semaphore, #tpu.memory_space<semaphore_mem>>) {add = true}
            %dma_wait3A_112 = tpu.memref_slice %arg10[%mul3A_106] : memref<2000xi32, #tpu.memory_space<vmem>> -> memref<80xi32, #tpu.memory_space<vmem>>
            %dma_wait3A_113 = arith.constant 0 : i32
            %dma_wait3A_114 = arith.constant 0 : i32
            %dma_wait3A_115 = tpu.memref_slice %arg13[%dma_wait3A_113, %dma_wait3A_114] : memref<10240x144xf32, #tpu.memory_space<vmem_shared>> -> memref<10240x144xf32, #tpu.memory_space<vmem_shared>>
            tpu.wait_indirect_dma semaphore(%run_scoped3A : memref<!tpu.dma_semaphore, #tpu.memory_space<semaphore_mem>>) src(%arg12 : memref<80x144xf32, #tpu.memory_space<vmem>>) dst(%dma_wait3A_115 : memref<10240x144xf32, #tpu.memory_space<vmem_shared>>)
            tpu.yield
          }) : () -> ()
          %scan3A_107 = arith.constant 0 : i32
          scf.yield %scan3A_107 : i32
        }
        %scan3A_65 = arith.constant 12 : i32
        %dma_wait3A = arith.constant 1920 : i32
        %dma_wait3A_66 = tpu.memref_slice %arg9[%dma_wait3A] : memref<2000xi32, #tpu.memory_space<vmem>> -> memref<80xi32, #tpu.memory_space<vmem>>
        %dma_wait3A_67 = arith.constant 0 : i32
        %dma_wait3A_68 = arith.constant 0 : i32
        %dma_wait3A_69 = tpu.memref_slice %arg2[%dma_wait3A_67, %dma_wait3A_68] : memref<10000x144xf32, #tpu.memory_space<hbm>> -> memref<10000x144xf32, #tpu.memory_space<hbm>>
        tpu.wait_indirect_dma semaphore(%arg14 : memref<!tpu.dma_semaphore, #tpu.memory_space<semaphore_mem>>) src(%dma_wait3A_69 : memref<10000x144xf32, #tpu.memory_space<hbm>>) dst(%arg11 : memref<80x144xf32, #tpu.memory_space<vmem>>)
        "tpu.region"() ({
          %run_scoped3A = tpu.sem_alloc : memref<!tpu.dma_semaphore, #tpu.memory_space<semaphore_mem>>
          %dma_start3A_71 = arith.constant 1920 : i32
          %dma_start3A_72 = tpu.memref_slice %arg10[%dma_start3A_71] : memref<2000xi32, #tpu.memory_space<vmem>> -> memref<80xi32, #tpu.memory_space<vmem>>
          %dma_start3A_73 = arith.constant 0 : i32
          %dma_start3A_74 = arith.constant 0 : i32
          %dma_start3A_75 = tpu.memref_slice %arg13[%dma_start3A_73, %dma_start3A_74] : memref<10240x144xf32, #tpu.memory_space<vmem_shared>> -> memref<10240x144xf32, #tpu.memory_space<vmem_shared>>
          tpu.enqueue_indirect_dma source(%arg11 : memref<80x144xf32, #tpu.memory_space<vmem>>) target(%dma_start3A_75 : memref<10240x144xf32, #tpu.memory_space<vmem_shared>>) offsets(%dma_start3A_72 : memref<80xi32, #tpu.memory_space<vmem>>) semaphore(%run_scoped3A : memref<!tpu.dma_semaphore, #tpu.memory_space<semaphore_mem>>) {add = true}
          %dma_wait3A_76 = arith.constant 1920 : i32
          %dma_wait3A_77 = tpu.memref_slice %arg10[%dma_wait3A_76] : memref<2000xi32, #tpu.memory_space<vmem>> -> memref<80xi32, #tpu.memory_space<vmem>>
          %dma_wait3A_78 = arith.constant 0 : i32
          %dma_wait3A_79 = arith.constant 0 : i32
          %dma_wait3A_80 = tpu.memref_slice %arg13[%dma_wait3A_78, %dma_wait3A_79] : memref<10240x144xf32, #tpu.memory_space<vmem_shared>> -> memref<10240x144xf32, #tpu.memory_space<vmem_shared>>
          tpu.wait_indirect_dma semaphore(%run_scoped3A : memref<!tpu.dma_semaphore, #tpu.memory_space<semaphore_mem>>) src(%arg11 : memref<80x144xf32, #tpu.memory_space<vmem>>) dst(%dma_wait3A_80 : memref<10240x144xf32, #tpu.memory_space<vmem_shared>>)
          tpu.yield
        }) : () -> ()
        %scan3A_70 = arith.constant 0 : i32
        scf.yield %scan3A_70 : i32
      }
      %scan3A_47 = arith.constant 5 : i32
    } else {
    }
    %eq3A_25 = arith.constant 1 : i32
    %eq3A_26 = arith.cmpi eq, %arg0, %eq3A_25 : i32
    %convert_element_type3A_27 = arith.extui %eq3A_26 : i1 to i32
    %cond3A_28 = arith.constant 0 : i32
    %cond3A_29 = arith.cmpi ne, %convert_element_type3A_27, %cond3A_28 : i32
    scf.if %cond3A_29 {
      %scan3A_41 = arith.constant 0 : i32
      %scan3A_42 = arith.constant 0 : i32
      %scan3A_43 = arith.constant 5 : i32
      %scan3A_44 = arith.addi %scan3A_42, %scan3A_43 : i32
      %scan3A_45 = arith.constant 1 : i32
      %scan3A_46 = scf.for %scan3A_48 = %scan3A_42 to %scan3A_44 step %scan3A_45 iter_args(%scan3A_49 = %scan3A_41) -> (i32)  : i32 {
        %mul3A_50 = arith.constant 10000 : i32
        %mul3A_51 = arith.muli %arg1, %mul3A_50 : i32
        %mul3A_52 = arith.constant 2000 : i32
        %mul3A_53 = arith.muli %scan3A_48, %mul3A_52 : i32
        %add3A_54 = arith.addi %mul3A_51, %mul3A_53 : i32
        "tpu.region"() ({
          %run_scoped3A = tpu.sem_alloc : memref<!tpu.dma_semaphore, #tpu.memory_space<semaphore_mem>>
          %dma_start3A_71 = tpu.memref_slice %arg5[%add3A_54] : memref<160000xi32, #tpu.memory_space<hbm>> -> memref<2000xi32, #tpu.memory_space<hbm>>
          %dma_start3A_72 = tpu.memref_slice %arg5[%add3A_54] : memref<160000xi32, #tpu.memory_space<hbm>> -> memref<2000xi32, #tpu.memory_space<hbm>>
          tpu.enqueue_dma source(%dma_start3A_72 : memref<2000xi32, #tpu.memory_space<hbm>>) target(%arg9 : memref<2000xi32, #tpu.memory_space<vmem>>) target_semaphore(%run_scoped3A : memref<!tpu.dma_semaphore, #tpu.memory_space<semaphore_mem>>)
          %dma_wait3A_73 = tpu.memref_slice %arg5[%add3A_54] : memref<160000xi32, #tpu.memory_space<hbm>> -> memref<2000xi32, #tpu.memory_space<hbm>>
          %dma_wait3A_74 = tpu.memref_slice %arg5[%add3A_54] : memref<160000xi32, #tpu.memory_space<hbm>> -> memref<2000xi32, #tpu.memory_space<hbm>>
          tpu.wait_dma2 semaphore(%run_scoped3A : memref<!tpu.dma_semaphore, #tpu.memory_space<semaphore_mem>>) src(%dma_wait3A_74 : memref<2000xi32, #tpu.memory_space<hbm>>) dst(%arg9 : memref<2000xi32, #tpu.memory_space<vmem>>)
          tpu.yield
        }) : () -> ()
        "tpu.region"() ({
          %run_scoped3A = tpu.sem_alloc : memref<!tpu.dma_semaphore, #tpu.memory_space<semaphore_mem>>
          %dma_start3A_71 = tpu.memref_slice %arg6[%add3A_54] : memref<160000xi32, #tpu.memory_space<hbm>> -> memref<2000xi32, #tpu.memory_space<hbm>>
          %dma_start3A_72 = tpu.memref_slice %arg6[%add3A_54] : memref<160000xi32, #tpu.memory_space<hbm>> -> memref<2000xi32, #tpu.memory_space<hbm>>
          tpu.enqueue_dma source(%dma_start3A_72 : memref<2000xi32, #tpu.memory_space<hbm>>) target(%arg10 : memref<2000xi32, #tpu.memory_space<vmem>>) target_semaphore(%run_scoped3A : memref<!tpu.dma_semaphore, #tpu.memory_space<semaphore_mem>>)
          %dma_wait3A_73 = tpu.memref_slice %arg6[%add3A_54] : memref<160000xi32, #tpu.memory_space<hbm>> -> memref<2000xi32, #tpu.memory_space<hbm>>
          %dma_wait3A_74 = tpu.memref_slice %arg6[%add3A_54] : memref<160000xi32, #tpu.memory_space<hbm>> -> memref<2000xi32, #tpu.memory_space<hbm>>
          tpu.wait_dma2 semaphore(%run_scoped3A : memref<!tpu.dma_semaphore, #tpu.memory_space<semaphore_mem>>) src(%dma_wait3A_74 : memref<2000xi32, #tpu.memory_space<hbm>>) dst(%arg10 : memref<2000xi32, #tpu.memory_space<vmem>>)
          tpu.yield
        }) : () -> ()
        %dma_start3A = arith.constant 0 : i32
        %dma_start3A_55 = tpu.memref_slice %arg9[%dma_start3A] : memref<2000xi32, #tpu.memory_space<vmem>> -> memref<80xi32, #tpu.memory_space<vmem>>
        %dma_start3A_56 = arith.constant 0 : i32
        %dma_start3A_57 = arith.constant 0 : i32
        %dma_start3A_58 = tpu.memref_slice %arg2[%dma_start3A_56, %dma_start3A_57] : memref<10000x144xf32, #tpu.memory_space<hbm>> -> memref<10000x144xf32, #tpu.memory_space<hbm>>
        tpu.enqueue_indirect_dma source(%dma_start3A_58 : memref<10000x144xf32, #tpu.memory_space<hbm>>) target(%arg11 : memref<80x144xf32, #tpu.memory_space<vmem>>) offsets(%dma_start3A_55 : memref<80xi32, #tpu.memory_space<vmem>>) semaphore(%arg14 : memref<!tpu.dma_semaphore, #tpu.memory_space<semaphore_mem>>)
        %scan3A_59 = arith.constant 0 : i32
        %scan3A_60 = arith.constant 0 : i32
        %scan3A_61 = arith.constant 12 : i32
        %scan3A_62 = arith.addi %scan3A_60, %scan3A_61 : i32
        %scan3A_63 = arith.constant 1 : i32
        %scan3A_64 = scf.for %scan3A_71 = %scan3A_60 to %scan3A_62 step %scan3A_63 iter_args(%scan3A_72 = %scan3A_59) -> (i32)  : i32 {
          %mul3A_73 = arith.constant 2 : i32
          %mul3A_74 = arith.muli %mul3A_73, %scan3A_71 : i32
          %add3A_75 = arith.constant 1 : i32
          %add3A_76 = arith.addi %mul3A_74, %add3A_75 : i32
          %mul3A_77 = arith.constant 80 : i32
          %mul3A_78 = arith.muli %add3A_76, %mul3A_77 : i32
          %dma_start3A_79 = tpu.memref_slice %arg9[%mul3A_78] : memref<2000xi32, #tpu.memory_space<vmem>> -> memref<80xi32, #tpu.memory_space<vmem>>
          %dma_start3A_80 = arith.constant 0 : i32
          %dma_start3A_81 = arith.constant 0 : i32
          %dma_start3A_82 = tpu.memref_slice %arg2[%dma_start3A_80, %dma_start3A_81] : memref<10000x144xf32, #tpu.memory_space<hbm>> -> memref<10000x144xf32, #tpu.memory_space<hbm>>
          tpu.enqueue_indirect_dma source(%dma_start3A_82 : memref<10000x144xf32, #tpu.memory_space<hbm>>) target(%arg12 : memref<80x144xf32, #tpu.memory_space<vmem>>) offsets(%dma_start3A_79 : memref<80xi32, #tpu.memory_space<vmem>>) semaphore(%arg15 : memref<!tpu.dma_semaphore, #tpu.memory_space<semaphore_mem>>)
          %mul3A_83 = arith.constant 80 : i32
          %mul3A_84 = arith.muli %mul3A_74, %mul3A_83 : i32
          %dma_wait3A_85 = tpu.memref_slice %arg9[%mul3A_84] : memref<2000xi32, #tpu.memory_space<vmem>> -> memref<80xi32, #tpu.memory_space<vmem>>
          %dma_wait3A_86 = arith.constant 0 : i32
          %dma_wait3A_87 = arith.constant 0 : i32
          %dma_wait3A_88 = tpu.memref_slice %arg2[%dma_wait3A_86, %dma_wait3A_87] : memref<10000x144xf32, #tpu.memory_space<hbm>> -> memref<10000x144xf32, #tpu.memory_space<hbm>>
          tpu.wait_indirect_dma semaphore(%arg14 : memref<!tpu.dma_semaphore, #tpu.memory_space<semaphore_mem>>) src(%dma_wait3A_88 : memref<10000x144xf32, #tpu.memory_space<hbm>>) dst(%arg11 : memref<80x144xf32, #tpu.memory_space<vmem>>)
          %mul3A_89 = arith.constant 80 : i32
          %mul3A_90 = arith.muli %mul3A_74, %mul3A_89 : i32
          "tpu.region"() ({
            %run_scoped3A = tpu.sem_alloc : memref<!tpu.dma_semaphore, #tpu.memory_space<semaphore_mem>>
            %dma_start3A_108 = tpu.memref_slice %arg10[%mul3A_90] : memref<2000xi32, #tpu.memory_space<vmem>> -> memref<80xi32, #tpu.memory_space<vmem>>
            %dma_start3A_109 = arith.constant 0 : i32
            %dma_start3A_110 = arith.constant 0 : i32
            %dma_start3A_111 = tpu.memref_slice %arg13[%dma_start3A_109, %dma_start3A_110] : memref<10240x144xf32, #tpu.memory_space<vmem_shared>> -> memref<10240x144xf32, #tpu.memory_space<vmem_shared>>
            tpu.enqueue_indirect_dma source(%arg11 : memref<80x144xf32, #tpu.memory_space<vmem>>) target(%dma_start3A_111 : memref<10240x144xf32, #tpu.memory_space<vmem_shared>>) offsets(%dma_start3A_108 : memref<80xi32, #tpu.memory_space<vmem>>) semaphore(%run_scoped3A : memref<!tpu.dma_semaphore, #tpu.memory_space<semaphore_mem>>) {add = true}
            %dma_wait3A_112 = tpu.memref_slice %arg10[%mul3A_90] : memref<2000xi32, #tpu.memory_space<vmem>> -> memref<80xi32, #tpu.memory_space<vmem>>
            %dma_wait3A_113 = arith.constant 0 : i32
            %dma_wait3A_114 = arith.constant 0 : i32
            %dma_wait3A_115 = tpu.memref_slice %arg13[%dma_wait3A_113, %dma_wait3A_114] : memref<10240x144xf32, #tpu.memory_space<vmem_shared>> -> memref<10240x144xf32, #tpu.memory_space<vmem_shared>>
            tpu.wait_indirect_dma semaphore(%run_scoped3A : memref<!tpu.dma_semaphore, #tpu.memory_space<semaphore_mem>>) src(%arg11 : memref<80x144xf32, #tpu.memory_space<vmem>>) dst(%dma_wait3A_115 : memref<10240x144xf32, #tpu.memory_space<vmem_shared>>)
            tpu.yield
          }) : () -> ()
          %add3A_91 = arith.constant 2 : i32
          %add3A_92 = arith.addi %mul3A_74, %add3A_91 : i32
          %lt3A = arith.constant 25 : i32
          %lt3A_93 = arith.cmpi slt, %add3A_92, %lt3A : i32
          %convert_element_type3A_94 = arith.extui %lt3A_93 : i1 to i32
          %cond3A_95 = arith.constant 0 : i32
          %cond3A_96 = arith.cmpi ne, %convert_element_type3A_94, %cond3A_95 : i32
          scf.if %cond3A_96 {
            %add3A_108 = arith.constant 2 : i32
            %add3A_109 = arith.addi %mul3A_74, %add3A_108 : i32
            %mul3A_110 = arith.constant 80 : i32
            %mul3A_111 = arith.muli %add3A_109, %mul3A_110 : i32
            %dma_start3A_112 = tpu.memref_slice %arg9[%mul3A_111] : memref<2000xi32, #tpu.memory_space<vmem>> -> memref<80xi32, #tpu.memory_space<vmem>>
            %dma_start3A_113 = arith.constant 0 : i32
            %dma_start3A_114 = arith.constant 0 : i32
            %dma_start3A_115 = tpu.memref_slice %arg2[%dma_start3A_113, %dma_start3A_114] : memref<10000x144xf32, #tpu.memory_space<hbm>> -> memref<10000x144xf32, #tpu.memory_space<hbm>>
            tpu.enqueue_indirect_dma source(%dma_start3A_115 : memref<10000x144xf32, #tpu.memory_space<hbm>>) target(%arg11 : memref<80x144xf32, #tpu.memory_space<vmem>>) offsets(%dma_start3A_112 : memref<80xi32, #tpu.memory_space<vmem>>) semaphore(%arg14 : memref<!tpu.dma_semaphore, #tpu.memory_space<semaphore_mem>>)
          } else {
          }
          %add3A_97 = arith.constant 1 : i32
          %add3A_98 = arith.addi %mul3A_74, %add3A_97 : i32
          %mul3A_99 = arith.constant 80 : i32
          %mul3A_100 = arith.muli %add3A_98, %mul3A_99 : i32
          %dma_wait3A_101 = tpu.memref_slice %arg9[%mul3A_100] : memref<2000xi32, #tpu.memory_space<vmem>> -> memref<80xi32, #tpu.memory_space<vmem>>
          %dma_wait3A_102 = arith.constant 0 : i32
          %dma_wait3A_103 = arith.constant 0 : i32
          %dma_wait3A_104 = tpu.memref_slice %arg2[%dma_wait3A_102, %dma_wait3A_103] : memref<10000x144xf32, #tpu.memory_space<hbm>> -> memref<10000x144xf32, #tpu.memory_space<hbm>>
          tpu.wait_indirect_dma semaphore(%arg15 : memref<!tpu.dma_semaphore, #tpu.memory_space<semaphore_mem>>) src(%dma_wait3A_104 : memref<10000x144xf32, #tpu.memory_space<hbm>>) dst(%arg12 : memref<80x144xf32, #tpu.memory_space<vmem>>)
          %mul3A_105 = arith.constant 80 : i32
          %mul3A_106 = arith.muli %add3A_98, %mul3A_105 : i32
          "tpu.region"() ({
            %run_scoped3A = tpu.sem_alloc : memref<!tpu.dma_semaphore, #tpu.memory_space<semaphore_mem>>
            %dma_start3A_108 = tpu.memref_slice %arg10[%mul3A_106] : memref<2000xi32, #tpu.memory_space<vmem>> -> memref<80xi32, #tpu.memory_space<vmem>>
            %dma_start3A_109 = arith.constant 0 : i32
            %dma_start3A_110 = arith.constant 0 : i32
            %dma_start3A_111 = tpu.memref_slice %arg13[%dma_start3A_109, %dma_start3A_110] : memref<10240x144xf32, #tpu.memory_space<vmem_shared>> -> memref<10240x144xf32, #tpu.memory_space<vmem_shared>>
            tpu.enqueue_indirect_dma source(%arg12 : memref<80x144xf32, #tpu.memory_space<vmem>>) target(%dma_start3A_111 : memref<10240x144xf32, #tpu.memory_space<vmem_shared>>) offsets(%dma_start3A_108 : memref<80xi32, #tpu.memory_space<vmem>>) semaphore(%run_scoped3A : memref<!tpu.dma_semaphore, #tpu.memory_space<semaphore_mem>>) {add = true}
            %dma_wait3A_112 = tpu.memref_slice %arg10[%mul3A_106] : memref<2000xi32, #tpu.memory_space<vmem>> -> memref<80xi32, #tpu.memory_space<vmem>>
            %dma_wait3A_113 = arith.constant 0 : i32
            %dma_wait3A_114 = arith.constant 0 : i32
            %dma_wait3A_115 = tpu.memref_slice %arg13[%dma_wait3A_113, %dma_wait3A_114] : memref<10240x144xf32, #tpu.memory_space<vmem_shared>> -> memref<10240x144xf32, #tpu.memory_space<vmem_shared>>
            tpu.wait_indirect_dma semaphore(%run_scoped3A : memref<!tpu.dma_semaphore, #tpu.memory_space<semaphore_mem>>) src(%arg12 : memref<80x144xf32, #tpu.memory_space<vmem>>) dst(%dma_wait3A_115 : memref<10240x144xf32, #tpu.memory_space<vmem_shared>>)
            tpu.yield
          }) : () -> ()
          %scan3A_107 = arith.constant 0 : i32
          scf.yield %scan3A_107 : i32
        }
        %scan3A_65 = arith.constant 12 : i32
        %dma_wait3A = arith.constant 1920 : i32
        %dma_wait3A_66 = tpu.memref_slice %arg9[%dma_wait3A] : memref<2000xi32, #tpu.memory_space<vmem>> -> memref<80xi32, #tpu.memory_space<vmem>>
        %dma_wait3A_67 = arith.constant 0 : i32
        %dma_wait3A_68 = arith.constant 0 : i32
        %dma_wait3A_69 = tpu.memref_slice %arg2[%dma_wait3A_67, %dma_wait3A_68] : memref<10000x144xf32, #tpu.memory_space<hbm>> -> memref<10000x144xf32, #tpu.memory_space<hbm>>
        tpu.wait_indirect_dma semaphore(%arg14 : memref<!tpu.dma_semaphore, #tpu.memory_space<semaphore_mem>>) src(%dma_wait3A_69 : memref<10000x144xf32, #tpu.memory_space<hbm>>) dst(%arg11 : memref<80x144xf32, #tpu.memory_space<vmem>>)
        "tpu.region"() ({
          %run_scoped3A = tpu.sem_alloc : memref<!tpu.dma_semaphore, #tpu.memory_space<semaphore_mem>>
          %dma_start3A_71 = arith.constant 1920 : i32
          %dma_start3A_72 = tpu.memref_slice %arg10[%dma_start3A_71] : memref<2000xi32, #tpu.memory_space<vmem>> -> memref<80xi32, #tpu.memory_space<vmem>>
          %dma_start3A_73 = arith.constant 0 : i32
          %dma_start3A_74 = arith.constant 0 : i32
          %dma_start3A_75 = tpu.memref_slice %arg13[%dma_start3A_73, %dma_start3A_74] : memref<10240x144xf32, #tpu.memory_space<vmem_shared>> -> memref<10240x144xf32, #tpu.memory_space<vmem_shared>>
          tpu.enqueue_indirect_dma source(%arg11 : memref<80x144xf32, #tpu.memory_space<vmem>>) target(%dma_start3A_75 : memref<10240x144xf32, #tpu.memory_space<vmem_shared>>) offsets(%dma_start3A_72 : memref<80xi32, #tpu.memory_space<vmem>>) semaphore(%run_scoped3A : memref<!tpu.dma_semaphore, #tpu.memory_space<semaphore_mem>>) {add = true}
          %dma_wait3A_76 = arith.constant 1920 : i32
          %dma_wait3A_77 = tpu.memref_slice %arg10[%dma_wait3A_76] : memref<2000xi32, #tpu.memory_space<vmem>> -> memref<80xi32, #tpu.memory_space<vmem>>
          %dma_wait3A_78 = arith.constant 0 : i32
          %dma_wait3A_79 = arith.constant 0 : i32
          %dma_wait3A_80 = tpu.memref_slice %arg13[%dma_wait3A_78, %dma_wait3A_79] : memref<10240x144xf32, #tpu.memory_space<vmem_shared>> -> memref<10240x144xf32, #tpu.memory_space<vmem_shared>>
          tpu.wait_indirect_dma semaphore(%run_scoped3A : memref<!tpu.dma_semaphore, #tpu.memory_space<semaphore_mem>>) src(%arg11 : memref<80x144xf32, #tpu.memory_space<vmem>>) dst(%dma_wait3A_80 : memref<10240x144xf32, #tpu.memory_space<vmem_shared>>)
          tpu.yield
        }) : () -> ()
        %scan3A_70 = arith.constant 0 : i32
        scf.yield %scan3A_70 : i32
      }
      %scan3A_47 = arith.constant 5 : i32
    } else {
    }
    %barrier3A_30 = arith.constant 0 : index
    tpu.barrier barrier_id(%barrier3A_30)
    %eq3A_31 = arith.constant 0 : i32
    %eq3A_32 = arith.cmpi eq, %arg0, %eq3A_31 : i32
    %convert_element_type3A_33 = arith.extui %eq3A_32 : i1 to i32
    %cond3A_34 = arith.constant 0 : i32
    %cond3A_35 = arith.cmpi ne, %convert_element_type3A_33, %cond3A_34 : i32
    scf.if %cond3A_35 {
      "tpu.region"() ({
        %run_scoped3A = tpu.sem_alloc : memref<!tpu.dma_semaphore, #tpu.memory_space<semaphore_mem>>
        %dma_start3A = arith.constant 0 : i32
        %dma_start3A_41 = tpu.memref_slice %arg7[%mul3A_0, %dma_start3A] : memref<10240x144xf32, #tpu.memory_space<hbm>> -> memref<640x144xf32, #tpu.memory_space<hbm>>
        %dma_start3A_42 = arith.constant 0 : i32
        %dma_start3A_43 = tpu.memref_slice %arg13[%mul3A_0, %dma_start3A_42] : memref<10240x144xf32, #tpu.memory_space<vmem_shared>> -> memref<640x144xf32, #tpu.memory_space<vmem_shared>>
        tpu.enqueue_dma source(%dma_start3A_43 : memref<640x144xf32, #tpu.memory_space<vmem_shared>>) target(%dma_start3A_41 : memref<640x144xf32, #tpu.memory_space<hbm>>) target_semaphore(%run_scoped3A : memref<!tpu.dma_semaphore, #tpu.memory_space<semaphore_mem>>)
        %dma_wait3A = arith.constant 0 : i32
        %dma_wait3A_44 = tpu.memref_slice %arg7[%mul3A_0, %dma_wait3A] : memref<10240x144xf32, #tpu.memory_space<hbm>> -> memref<640x144xf32, #tpu.memory_space<hbm>>
        %dma_wait3A_45 = arith.constant 0 : i32
        %dma_wait3A_46 = tpu.memref_slice %arg13[%mul3A_0, %dma_wait3A_45] : memref<10240x144xf32, #tpu.memory_space<vmem_shared>> -> memref<640x144xf32, #tpu.memory_space<vmem_shared>>
        tpu.wait_dma2 semaphore(%run_scoped3A : memref<!tpu.dma_semaphore, #tpu.memory_space<semaphore_mem>>) src(%dma_wait3A_46 : memref<640x144xf32, #tpu.memory_space<vmem_shared>>) dst(%dma_wait3A_44 : memref<640x144xf32, #tpu.memory_space<hbm>>)
        tpu.yield
      }) : () -> ()
    } else {
    }
    %eq3A_36 = arith.constant 1 : i32
    %eq3A_37 = arith.cmpi eq, %arg0, %eq3A_36 : i32
    %convert_element_type3A_38 = arith.extui %eq3A_37 : i1 to i32
    %cond3A_39 = arith.constant 0 : i32
    %cond3A_40 = arith.cmpi ne, %convert_element_type3A_38, %cond3A_39 : i32
    scf.if %cond3A_40 {
      "tpu.region"() ({
        %run_scoped3A = tpu.sem_alloc : memref<!tpu.dma_semaphore, #tpu.memory_space<semaphore_mem>>
        %dma_start3A = arith.constant 0 : i32
        %dma_start3A_41 = tpu.memref_slice %arg8[%mul3A_0, %dma_start3A] : memref<10240x144xf32, #tpu.memory_space<hbm>> -> memref<640x144xf32, #tpu.memory_space<hbm>>
        %dma_start3A_42 = arith.constant 0 : i32
        %dma_start3A_43 = tpu.memref_slice %arg13[%mul3A_0, %dma_start3A_42] : memref<10240x144xf32, #tpu.memory_space<vmem_shared>> -> memref<640x144xf32, #tpu.memory_space<vmem_shared>>
        tpu.enqueue_dma source(%dma_start3A_43 : memref<640x144xf32, #tpu.memory_space<vmem_shared>>) target(%dma_start3A_41 : memref<640x144xf32, #tpu.memory_space<hbm>>) target_semaphore(%run_scoped3A : memref<!tpu.dma_semaphore, #tpu.memory_space<semaphore_mem>>)
        %dma_wait3A = arith.constant 0 : i32
        %dma_wait3A_44 = tpu.memref_slice %arg8[%mul3A_0, %dma_wait3A] : memref<10240x144xf32, #tpu.memory_space<hbm>> -> memref<640x144xf32, #tpu.memory_space<hbm>>
        %dma_wait3A_45 = arith.constant 0 : i32
        %dma_wait3A_46 = tpu.memref_slice %arg13[%mul3A_0, %dma_wait3A_45] : memref<10240x144xf32, #tpu.memory_space<vmem_shared>> -> memref<640x144xf32, #tpu.memory_space<vmem_shared>>
        tpu.wait_dma2 semaphore(%run_scoped3A : memref<!tpu.dma_semaphore, #tpu.memory_space<semaphore_mem>>) src(%dma_wait3A_46 : memref<640x144xf32, #tpu.memory_space<vmem_shared>>) dst(%dma_wait3A_44 : memref<640x144xf32, #tpu.memory_space<hbm>>)
        tpu.yield
      }) : () -> ()
    } else {
    }
    return
  }
}

module attributes {stable_mosaic.version = 14 : i64} {
  func.func @_inp_body(%arg0: i32, %arg1: memref<400x128xf32, #tpu.memory_space<vmem>>, %arg2: memref<128x128xf32, #tpu.memory_space<vmem>>, %arg3: memref<1x128xf32, #tpu.memory_space<vmem>>, %arg4: memref<400x144xf32, #tpu.memory_space<vmem>>) attributes {dimension_semantics = [#tpu.dimension_semantics<arbitrary>], iteration_bounds = array<i64: 25>, scalar_prefetch = 0 : i64, scratch_operands = 0 : i64, tpu.core_type = #tpu.core_type<tc>, window_params = [{transform_indices = @transform_0, window_bounds = array<i64: 400, 128>}, {pipeline_mode = #tpu.pipeline_mode<synchronous>, transform_indices = @transform_1, window_bounds = array<i64: 128, 128>}, {pipeline_mode = #tpu.pipeline_mode<synchronous>, transform_indices = @transform_2, window_bounds = array<i64: 1, 128>}, {transform_indices = @transform_3, window_bounds = array<i64: 400, 144>}]} {
    %get3A = arith.constant 0 : index
    %get3A_0 = arith.constant 0 : index
    %get3A_1 = vector.load %arg1[%get3A, %get3A_0] : memref<400x128xf32, #tpu.memory_space<vmem>>, vector<400x128xf32>
    %get3A_2 = arith.constant 0 : index
    %get3A_3 = arith.constant 0 : index
    %get3A_4 = vector.load %arg2[%get3A_2, %get3A_3] : memref<128x128xf32, #tpu.memory_space<vmem>>, vector<128x128xf32>
    %dot_general3A = arith.constant dense<0.000000e+00> : vector<400x128xf32>
    %dot_general3A_5 = tpu.matmul %get3A_1, %get3A_4, %dot_general3A {dimension_numbers = #tpu.dot_dimension_numbers<[1], [0], [0], [1], [0, 0, 1, 1], [], []>, transpose_lhs_hint = false} : vector<400x128xf32>, vector<128x128xf32>, vector<400x128xf32> -> vector<400x128xf32>
    %get3A_6 = arith.constant 0 : index
    %get3A_7 = arith.constant 0 : index
    %get3A_8 = vector.load %arg3[%get3A_6, %get3A_7] : memref<1x128xf32, #tpu.memory_space<vmem>>, vector<1x128xf32>
    %add3A = vector.broadcast %get3A_8 : vector<1x128xf32> to vector<400x128xf32>
    %add3A_9 = arith.addf %dot_general3A_5, %add3A : vector<400x128xf32>
    %iota3A = tpu.iota {dimensions = array<i32: 1>} : vector<400x16xi32>
    %swap3A = arith.constant 0 : index
    %swap3A_10 = arith.constant 0 : index
    %swap3A_11 = vector.load %arg4[%swap3A, %swap3A_10] : memref<400x144xf32, #tpu.memory_space<vmem>>, vector<400x128xf32>
    tpu.vector_store %arg4[%swap3A, %swap3A_10], %add3A_9 {strides = array<i32>} : memref<400x144xf32, #tpu.memory_space<vmem>>, vector<400x128xf32>,
    %eq3A = arith.constant 0 : i32
    %eq3A_12 = vector.broadcast %eq3A : i32 to vector<400x16xi32>
    %eq3A_13 = arith.cmpi eq, %iota3A, %eq3A_12 : vector<400x16xi32>
    %jit3A = arith.constant 1.000000e+00 : f32
    %jit3A_14 = arith.constant 0.000000e+00 : f32
    %broadcast_in_dim3A = vector.broadcast %jit3A : f32 to vector<400x16xf32>
    %broadcast_in_dim3A_15 = vector.broadcast %jit3A_14 : f32 to vector<400x16xf32>
    %select_n3A = arith.select %eq3A_13, %broadcast_in_dim3A, %broadcast_in_dim3A_15 : vector<400x16xi1>, vector<400x16xf32>
    %swap3A_16 = arith.constant 0 : index
    %swap3A_17 = arith.constant 128 : index
    %swap3A_18 = vector.load %arg4[%swap3A_16, %swap3A_17] : memref<400x144xf32, #tpu.memory_space<vmem>>, vector<400x16xf32>
    tpu.vector_store %arg4[%swap3A_16, %swap3A_17], %select_n3A {strides = array<i32>} : memref<400x144xf32, #tpu.memory_space<vmem>>, vector<400x16xf32>,
    return
  }
  func.func @transform_0(%arg0: i32) -> (i32, i32) {
    %c0_i32 = arith.constant 0 : i32
    %c0_i32_0 = arith.constant 0 : i32
    return %arg0, %c0_i32 : i32, i32
  }
  func.func @transform_1(%arg0: i32) -> (i32, i32) {
    %c0_i32 = arith.constant 0 : i32
    %c0_i32_0 = arith.constant 0 : i32
    %c0_i32_1 = arith.constant 0 : i32
    return %c0_i32, %c0_i32_0 : i32, i32
  }
  func.func @transform_2(%arg0: i32) -> (i32, i32) {
    %c0_i32 = arith.constant 0 : i32
    %c0_i32_0 = arith.constant 0 : i32
    %c0_i32_1 = arith.constant 0 : i32
    return %c0_i32, %c0_i32_0 : i32, i32
  }
  func.func @transform_3(%arg0: i32) -> (i32, i32) {
    %c0_i32 = arith.constant 0 : i32
    %c0_i32_0 = arith.constant 0 : i32
    return %arg0, %c0_i32 : i32, i32
  }
}

module attributes {stable_mosaic.version = 14 : i64} {
  func.func @_head_body(%arg0: i32, %arg1: memref<400x144xf32, #tpu.memory_space<vmem>>, %arg2: memref<400x144xf32, #tpu.memory_space<vmem>>, %arg3: memref<2x128x128xf32, #tpu.memory_space<vmem>>, %arg4: memref<2x2xf32, #tpu.memory_space<vmem>>, %arg5: memref<1x128xf32, #tpu.memory_space<vmem>>, %arg6: memref<128x64xf32, #tpu.memory_space<vmem>>, %arg7: memref<1x64xf32, #tpu.memory_space<vmem>>, %arg8: memref<64x16xf32, #tpu.memory_space<vmem>>, %arg9: memref<1x16xf32, #tpu.memory_space<vmem>>, %arg10: memref<400x16xf32, #tpu.memory_space<vmem>>) attributes {dimension_semantics = [#tpu.dimension_semantics<arbitrary>], iteration_bounds = array<i64: 25>, scalar_prefetch = 0 : i64, scratch_operands = 0 : i64, tpu.core_type = #tpu.core_type<tc>, window_params = [{transform_indices = @transform_0, window_bounds = array<i64: 400, 144>}, {transform_indices = @transform_1, window_bounds = array<i64: 400, 144>}, {pipeline_mode = #tpu.pipeline_mode<synchronous>, transform_indices = @transform_2, window_bounds = array<i64: 2, 128, 128>}, {pipeline_mode = #tpu.pipeline_mode<synchronous>, transform_indices = @transform_3, window_bounds = array<i64: 2, 2>}, {pipeline_mode = #tpu.pipeline_mode<synchronous>, transform_indices = @transform_4, window_bounds = array<i64: 1, 128>}, {pipeline_mode = #tpu.pipeline_mode<synchronous>, transform_indices = @transform_5, window_bounds = array<i64: 128, 64>}, {pipeline_mode = #tpu.pipeline_mode<synchronous>, transform_indices = @transform_6, window_bounds = array<i64: 1, 64>}, {pipeline_mode = #tpu.pipeline_mode<synchronous>, transform_indices = @transform_7, window_bounds = array<i64: 64, 16>}, {pipeline_mode = #tpu.pipeline_mode<synchronous>, transform_indices = @transform_8, window_bounds = array<i64: 1, 16>}, {transform_indices = @transform_9, window_bounds = array<i64: 400, 16>}]} {
    %get3A = arith.constant 0 : index
    %get3A_0 = arith.constant 0 : index
    %get3A_1 = arith.constant 0 : index
    %get3A_2 = vector.load %arg3[%get3A, %get3A_0, %get3A_1] : memref<2x128x128xf32, #tpu.memory_space<vmem>>, vector<1x128x128xf32>
    %get3A_3 = vector.shape_cast %get3A_2 : vector<1x128x128xf32> to vector<128x128xf32>
    %get3A_4 = arith.constant 1 : index
    %get3A_5 = arith.constant 0 : index
    %get3A_6 = arith.constant 0 : index
    %get3A_7 = vector.load %arg3[%get3A_4, %get3A_5, %get3A_6] : memref<2x128x128xf32, #tpu.memory_space<vmem>>, vector<1x128x128xf32>
    %get3A_8 = vector.shape_cast %get3A_7 : vector<1x128x128xf32> to vector<128x128xf32>
    %get3A_9 = arith.constant 0 : index
    %get3A_10 = arith.constant 0 : index
    %get3A_11 = vector.load %arg4[%get3A_9, %get3A_10] : memref<2x2xf32, #tpu.memory_space<vmem>>, vector<1x1xf32>
    %get3A_12 = vector.extract %get3A_11[0, 0] : f32 from vector<1x1xf32>
    %mul3A = vector.broadcast %get3A_12 : f32 to vector<128x128xf32>
    %mul3A_13 = arith.mulf %mul3A, %get3A_3 : vector<128x128xf32>
    %get3A_14 = arith.constant 0 : index
    %get3A_15 = arith.constant 1 : index
    %get3A_16 = vector.load %arg4[%get3A_14, %get3A_15] : memref<2x2xf32, #tpu.memory_space<vmem>>, vector<1x1xf32>
    %get3A_17 = vector.extract %get3A_16[0, 0] : f32 from vector<1x1xf32>
    %mul3A_18 = vector.broadcast %get3A_17 : f32 to vector<128x128xf32>
    %mul3A_19 = arith.mulf %mul3A_18, %get3A_8 : vector<128x128xf32>
    %add3A = arith.addf %mul3A_13, %mul3A_19 : vector<128x128xf32>
    %get3A_20 = arith.constant 1 : index
    %get3A_21 = arith.constant 0 : index
    %get3A_22 = vector.load %arg4[%get3A_20, %get3A_21] : memref<2x2xf32, #tpu.memory_space<vmem>>, vector<1x1xf32>
    %get3A_23 = vector.extract %get3A_22[0, 0] : f32 from vector<1x1xf32>
    %mul3A_24 = vector.broadcast %get3A_23 : f32 to vector<128x128xf32>
    %mul3A_25 = arith.mulf %mul3A_24, %get3A_3 : vector<128x128xf32>
    %get3A_26 = arith.constant 1 : index
    %get3A_27 = arith.constant 1 : index
    %get3A_28 = vector.load %arg4[%get3A_26, %get3A_27] : memref<2x2xf32, #tpu.memory_space<vmem>>, vector<1x1xf32>
    %get3A_29 = vector.extract %get3A_28[0, 0] : f32 from vector<1x1xf32>
    %mul3A_30 = vector.broadcast %get3A_29 : f32 to vector<128x128xf32>
    %mul3A_31 = arith.mulf %mul3A_30, %get3A_8 : vector<128x128xf32>
    %add3A_32 = arith.addf %mul3A_25, %mul3A_31 : vector<128x128xf32>
    %get3A_33 = arith.constant 0 : index
    %get3A_34 = arith.constant 128 : index
    %get3A_35 = vector.load %arg1[%get3A_33, %get3A_34] : memref<400x144xf32, #tpu.memory_space<vmem>>, vector<400x1xf32>
    %max3A = arith.constant 1.000000e+00 : f32
    %max3A_36 = vector.broadcast %max3A : f32 to vector<400x1xf32>
    %max3A_37 = arith.maximumf %get3A_35, %max3A_36 : vector<400x1xf32>
    %get3A_38 = arith.constant 0 : index
    %get3A_39 = arith.constant 128 : index
    %get3A_40 = vector.load %arg2[%get3A_38, %get3A_39] : memref<400x144xf32, #tpu.memory_space<vmem>>, vector<400x1xf32>
    %max3A_41 = arith.constant 1.000000e+00 : f32
    %max3A_42 = vector.broadcast %max3A_41 : f32 to vector<400x1xf32>
    %max3A_43 = arith.maximumf %get3A_40, %max3A_42 : vector<400x1xf32>
    %get3A_44 = arith.constant 0 : index
    %get3A_45 = arith.constant 0 : index
    %get3A_46 = vector.load %arg1[%get3A_44, %get3A_45] : memref<400x144xf32, #tpu.memory_space<vmem>>, vector<400x128xf32>
    %div3A = vector.broadcast %max3A_37 : vector<400x1xf32> to vector<400x128xf32>
    %div3A_47 = arith.divf %get3A_46, %div3A : vector<400x128xf32>
    %dot_general3A = arith.constant dense<0.000000e+00> : vector<400x128xf32>
    %dot_general3A_48 = tpu.matmul %div3A_47, %add3A, %dot_general3A {dimension_numbers = #tpu.dot_dimension_numbers<[1], [0], [0], [1], [0, 0, 1, 1], [], []>, transpose_lhs_hint = false} : vector<400x128xf32>, vector<128x128xf32>, vector<400x128xf32> -> vector<400x128xf32>
    %get3A_49 = arith.constant 0 : index
    %get3A_50 = arith.constant 0 : index
    %get3A_51 = vector.load %arg2[%get3A_49, %get3A_50] : memref<400x144xf32, #tpu.memory_space<vmem>>, vector<400x128xf32>
    %div3A_52 = vector.broadcast %max3A_43 : vector<400x1xf32> to vector<400x128xf32>
    %div3A_53 = arith.divf %get3A_51, %div3A_52 : vector<400x128xf32>
    %dot_general3A_54 = arith.constant dense<0.000000e+00> : vector<400x128xf32>
    %dot_general3A_55 = tpu.matmul %div3A_53, %add3A_32, %dot_general3A_54 {dimension_numbers = #tpu.dot_dimension_numbers<[1], [0], [0], [1], [0, 0, 1, 1], [], []>, transpose_lhs_hint = false} : vector<400x128xf32>, vector<128x128xf32>, vector<400x128xf32> -> vector<400x128xf32>
    %add3A_56 = arith.addf %dot_general3A_48, %dot_general3A_55 : vector<400x128xf32>
    %get3A_57 = arith.constant 0 : index
    %get3A_58 = arith.constant 0 : index
    %get3A_59 = vector.load %arg5[%get3A_57, %get3A_58] : memref<1x128xf32, #tpu.memory_space<vmem>>, vector<1x128xf32>
    %add3A_60 = vector.broadcast %get3A_59 : vector<1x128xf32> to vector<400x128xf32>
    %add3A_61 = arith.addf %add3A_56, %add3A_60 : vector<400x128xf32>
    %ge3A = arith.constant 0.000000e+00 : f32
    %ge3A_62 = vector.broadcast %ge3A : f32 to vector<400x128xf32>
    %ge3A_63 = arith.cmpf oge, %add3A_61, %ge3A_62 : vector<400x128xf32>
    %mul3A_64 = arith.constant 0.00999999977 : f32
    %mul3A_65 = vector.broadcast %mul3A_64 : f32 to vector<400x128xf32>
    %mul3A_66 = arith.mulf %mul3A_65, %add3A_61 : vector<400x128xf32>
    %select_n3A = arith.select %ge3A_63, %add3A_61, %mul3A_66 : vector<400x128xi1>, vector<400x128xf32>
    %get3A_67 = arith.constant 0 : index
    %get3A_68 = arith.constant 0 : index
    %get3A_69 = vector.load %arg6[%get3A_67, %get3A_68] : memref<128x64xf32, #tpu.memory_space<vmem>>, vector<128x64xf32>
    %dot_general3A_70 = arith.constant dense<0.000000e+00> : vector<400x64xf32>
    %dot_general3A_71 = tpu.matmul %select_n3A, %get3A_69, %dot_general3A_70 {dimension_numbers = #tpu.dot_dimension_numbers<[1], [0], [0], [1], [0, 0, 1, 1], [], []>, transpose_lhs_hint = false} : vector<400x128xf32>, vector<128x64xf32>, vector<400x64xf32> -> vector<400x64xf32>
    %get3A_72 = arith.constant 0 : index
    %get3A_73 = arith.constant 0 : index
    %get3A_74 = vector.load %arg7[%get3A_72, %get3A_73] : memref<1x64xf32, #tpu.memory_space<vmem>>, vector<1x64xf32>
    %add3A_75 = vector.broadcast %get3A_74 : vector<1x64xf32> to vector<400x64xf32>
    %add3A_76 = arith.addf %dot_general3A_71, %add3A_75 : vector<400x64xf32>
    %ge3A_77 = arith.constant 0.000000e+00 : f32
    %ge3A_78 = vector.broadcast %ge3A_77 : f32 to vector<400x64xf32>
    %ge3A_79 = arith.cmpf oge, %add3A_76, %ge3A_78 : vector<400x64xf32>
    %mul3A_80 = arith.constant 0.00999999977 : f32
    %mul3A_81 = vector.broadcast %mul3A_80 : f32 to vector<400x64xf32>
    %mul3A_82 = arith.mulf %mul3A_81, %add3A_76 : vector<400x64xf32>
    %select_n3A_83 = arith.select %ge3A_79, %add3A_76, %mul3A_82 : vector<400x64xi1>, vector<400x64xf32>
    %get3A_84 = arith.constant 0 : index
    %get3A_85 = arith.constant 0 : index
    %get3A_86 = vector.load %arg8[%get3A_84, %get3A_85] : memref<64x16xf32, #tpu.memory_space<vmem>>, vector<64x16xf32>
    %dot_general3A_87 = arith.constant dense<0.000000e+00> : vector<400x16xf32>
    %dot_general3A_88 = tpu.matmul %select_n3A_83, %get3A_86, %dot_general3A_87 {dimension_numbers = #tpu.dot_dimension_numbers<[1], [0], [0], [1], [0, 0, 1, 1], [], []>, transpose_lhs_hint = false} : vector<400x64xf32>, vector<64x16xf32>, vector<400x16xf32> -> vector<400x16xf32>
    %get3A_89 = arith.constant 0 : index
    %get3A_90 = arith.constant 0 : index
    %get3A_91 = vector.load %arg9[%get3A_89, %get3A_90] : memref<1x16xf32, #tpu.memory_space<vmem>>, vector<1x16xf32>
    %add3A_92 = vector.broadcast %get3A_91 : vector<1x16xf32> to vector<400x16xf32>
    %add3A_93 = arith.addf %dot_general3A_88, %add3A_92 : vector<400x16xf32>
    %reduce_max3A = arith.constant dense<0xFF800000> : vector<400xf32>
    %reduce_max3A_94 = vector.multi_reduction <maximumf>, %add3A_93, %reduce_max3A [1] : vector<400x16xf32> to vector<400xf32>
    %broadcast_in_dim3A = vector.shape_cast %reduce_max3A_94 : vector<400xf32> to vector<400x1xf32>
    %sub3A = vector.broadcast %broadcast_in_dim3A : vector<400x1xf32> to vector<400x16xf32>
    %sub3A_95 = arith.subf %add3A_93, %sub3A : vector<400x16xf32>
    %exp3A = math.exp %sub3A_95 : vector<400x16xf32>
    %reduce_sum3A = arith.constant dense<0.000000e+00> : vector<400xf32>
    %reduce_sum3A_96 = vector.multi_reduction <add>, %exp3A, %reduce_sum3A [1] : vector<400x16xf32> to vector<400xf32>
    %broadcast_in_dim3A_97 = vector.shape_cast %reduce_sum3A_96 : vector<400xf32> to vector<400x1xf32>
    %div3A_98 = vector.broadcast %broadcast_in_dim3A_97 : vector<400x1xf32> to vector<400x16xf32>
    %div3A_99 = arith.divf %exp3A, %div3A_98 : vector<400x16xf32>
    %swap3A = arith.constant 0 : index
    %swap3A_100 = arith.constant 0 : index
    %swap3A_101 = vector.load %arg10[%swap3A, %swap3A_100] : memref<400x16xf32, #tpu.memory_space<vmem>>, vector<400x16xf32>
    tpu.vector_store %arg10[%swap3A, %swap3A_100], %div3A_99 {strides = array<i32>} : memref<400x16xf32, #tpu.memory_space<vmem>>, vector<400x16xf32>,
    return
  }
  func.func @transform_0(%arg0: i32) -> (i32, i32) {
    %c0_i32 = arith.constant 0 : i32
    %c0_i32_0 = arith.constant 0 : i32
    return %arg0, %c0_i32 : i32, i32
  }
  func.func @transform_1(%arg0: i32) -> (i32, i32) {
    %c0_i32 = arith.constant 0 : i32
    %c0_i32_0 = arith.constant 0 : i32
    return %arg0, %c0_i32 : i32, i32
  }
  func.func @transform_2(%arg0: i32) -> (i32, i32, i32) {
    %c0_i32 = arith.constant 0 : i32
    %c0_i32_0 = arith.constant 0 : i32
    %c0_i32_1 = arith.constant 0 : i32
    %c0_i32_2 = arith.constant 0 : i32
    return %c0_i32, %c0_i32_0, %c0_i32_1 : i32, i32, i32
  }
  func.func @transform_3(%arg0: i32) -> (i32, i32) {
    %c0_i32 = arith.constant 0 : i32
    %c0_i32_0 = arith.constant 0 : i32
    %c0_i32_1 = arith.constant 0 : i32
    return %c0_i32, %c0_i32_0 : i32, i32
  }
  func.func @transform_4(%arg0: i32) -> (i32, i32) {
    %c0_i32 = arith.constant 0 : i32
    %c0_i32_0 = arith.constant 0 : i32
    %c0_i32_1 = arith.constant 0 : i32
    return %c0_i32, %c0_i32_0 : i32, i32
  }
  func.func @transform_5(%arg0: i32) -> (i32, i32) {
    %c0_i32 = arith.constant 0 : i32
    %c0_i32_0 = arith.constant 0 : i32
    %c0_i32_1 = arith.constant 0 : i32
    return %c0_i32, %c0_i32_0 : i32, i32
  }
  func.func @transform_6(%arg0: i32) -> (i32, i32) {
    %c0_i32 = arith.constant 0 : i32
    %c0_i32_0 = arith.constant 0 : i32
    %c0_i32_1 = arith.constant 0 : i32
    return %c0_i32, %c0_i32_0 : i32, i32
  }
  func.func @transform_7(%arg0: i32) -> (i32, i32) {
    %c0_i32 = arith.constant 0 : i32
    %c0_i32_0 = arith.constant 0 : i32
    %c0_i32_1 = arith.constant 0 : i32
    return %c0_i32, %c0_i32_0 : i32, i32
  }
  func.func @transform_8(%arg0: i32) -> (i32, i32) {
    %c0_i32 = arith.constant 0 : i32
    %c0_i32_0 = arith.constant 0 : i32
    %c0_i32_1 = arith.constant 0 : i32
    return %c0_i32, %c0_i32_0 : i32, i32
  }
  func.func @transform_9(%arg0: i32) -> (i32, i32) {
    %c0_i32 = arith.constant 0 : i32
    %c0_i32_0 = arith.constant 0 : i32
    return %arg0, %c0_i32 : i32, i32
  }
}

</mosaic_0001>

<sc_bundles>
// kernel: kernel.5.cloned.1.call-start
scs
__scs_entry_jumppad:
0x0: {  	(pc) =	sbr.rel $0x88, $3  }
0x1: {  	(tag) =	ssettag $0x0;
	lr =	simm.s32 $0x1  }
0x2: {  	[smem:$0x3F95] =	sst lr;
	_ =	strace $0xD0000000  }
0x3: {  	_ = 	snop  }
0x4: {  	_ = 	snop  }
0x5: {  	_ = 	snop  }
0x6: {  	_ = 	snop  }
0x7: {  	_ = 	snop  }
__scs_overlays_trampoline_lowered:
0x8: {  	[smem:$0x3FA4] =	sst s0  }
0x9: {  	[smem:$0x3FA5] =	sst s1  }
0xa: {  	[smem:$0x3FA6] =	sst s2  }
0xb: {  	[smem:$0x3FA7] =	sst s3  }
0xc: {  	[smem:$0x3FA8] =	sst s4  }
0xd: {  	[smem:$0x3FA9] =	sst s5  }
0xe: {  	[smem:$0x3FAA] =	sst s6  }
0xf: {  	[smem:$0x3FAB] =	sst s7  }
0x10: {  	[smem:$0x3FAC] =	sst s8  }
0x11: {  	[smem:$0x3FAD] =	sst s9;
	s0 =	simm.s32 @!p0 $0x0  }
0x12: {  	s1 =	sld [smem:$0x3F93];
	s0 =	simm.s32 @p0 $0x1  }
0x13: {  	[smem:$0x3FAE] =	sst s0;
	s0 =	simm.s32 @!p1 $0x0  }
0x14: {  	s2 =	sld [smem:$0x3F92];
	s0 =	simm.s32 @p1 $0x1  }
0x15: {  	[smem:$0x3FAF] =	sst s0;
	s0 =	simm.s32 @!p2 $0x0  }
0x16: {  	s3 =	sld [smem:$0x3FDB];
	s0 =	simm.s32 @p2 $0x1  }
0x17: {  	s4 =	simm.s32 $0x1BF5;
	[smem:$0x3FB1] =	sst s0  }
0x18: {  	s0 =	sld [smem:$0x3F94];
	_ =	swait.ge [sflag:s4], $0x0  }
0x19: {  	s7 =	sld [smem:$0x3F95]  }
0x1a: {  	s8 =	sadd.s32 $0xFFFFE003, lr  }
0x1b: {  	s9 =	sadd.s32 $0xFFFFFEF7, lr;
	s5 =	simm.s32 $0xFFFFFFFF;
	p2 =	slt.u32 s8, $0xFFFFF086  }
0x1c: {  	p1 =	slt.u32 s9, $0xF7A;
	s5 =	simm.s32 @!p2 $0x0  }
0x1d: {  	s5 =	simm.s32 @p1 $0x1;
	p0 =	seq.s32 s7, s2  }
0x1e: {  	s7 =	smul.u32 @!p0 $0xF7A, s2;
	p2 =	seq.s32 @!p0 s5, $0x0  }
0x1f: {  	s9 =	smul.u32 $0xF7A, s1;
	s8 =	simm.s32 @!p0 $0x1BF5;
	p2 =	por !p2, p0  }
0x20: {  	[sflag:s8] =	ssyncset.s32 @!p0 $0xFFFFF086;
	s6 =	sadd.s32 @!p0 s3, s7;
	s7 =	simm.s32 @!p0 $0x108  }
0x21: {  	s3 =	sadd.s32 s3, s9;
	s6 =	sadd.s32 @!p0 $0x88, s6;
	s7 =	simm.s32 @p2 $0x1082  }
0x22: {  	[simem:s7], [sflag:s8] =	dma.local @!p0 [hbm:s6], $0xF7A  }
0x23: {  	s9 =	sor.u32 $0xD0000000, s2;
	s6 =	simm.s32 $0x108;
	_ =	swait.ge @!p0 [sflag:s8], $0x0  }
0x24: {  	s3 =	sadd.s32 $0x88, s3;
	s6 =	simm.s32 @!p1 $0x1082;
	[sflag:s4] =	ssyncset.s32 $0xFFFFF086  }
0x25: {  	[simem:s6], [sflag:s4] =	dma.local [hbm:s3], $0xF7A  }
0x26: {  	[smem:$0x3F95] =	sst s1;
	(tag) =	ssettag s2;
	_ =	strace s9  }
0x27: {  	s1 =	sld [smem:$0x3FA5]  }
0x28: {  	s2 =	sld [smem:$0x3FA6]  }
0x29: {  	s4 =	sld [smem:$0x3FA8]  }
0x2a: {  	p0 =	seq.s32 s5, $0x0;
	s5 =	sld [smem:$0x3FA9]  }
0x2b: {  	s6 =	sld [smem:$0x3FAA]  }
0x2c: {  	s7 =	sld [smem:$0x3FAB]  }
0x2d: {  	s3 =	simm.s32 $0x108;
	s8 =	sld [smem:$0x3FAC]  }
0x2e: {  	s3 =	simm.s32 @!p0 $0x1082;
	s9 =	sld [smem:$0x3FAD]  }
0x2f: {  	lr =	sadd.s32 s0, s3;
	s0 =	sld [smem:$0x3FA4]  }
0x30: {  	s3 =	sld [smem:$0x3FA7]  }
0x31: {  	[smem:$0x3FB0] =	sst s10  }
0x32: {  	s10 =	sld [smem:$0x3FAE];
	_ =	sdelay $0x3  }
0x33: {  	p0 =	seq.s32 s10, $0x1;
	s10 =	sld [smem:$0x3FB0];
	_ =	sdelay $0x3  }
0x34: {  	[smem:$0x3FB0] =	sst s10  }
0x35: {  	s10 =	sld [smem:$0x3FAF];
	_ =	sdelay $0x3  }
0x36: {  	p1 =	seq.s32 s10, $0x1;
	s10 =	sld [smem:$0x3FB0];
	_ =	sdelay $0x3  }
0x37: {  	[smem:$0x3FB0] =	sst s10  }
0x38: {  	s10 =	sld [smem:$0x3FB1]  }
0x39: {  	_ = 	snop;
	(pc) =	sbr.ind lr, $3  }
0x3a: {  	_ = 	snop  }
0x3b: {  	_ = 	snop  }
0x3c: {  	p2 =	seq.s32 s10, $0x1;
	s10 =	sld [smem:$0x3FB0]  }
0x3d: {  	_ =	shalt  }
0x3e: {  	_ =	shalt  }
0x3f: {  	_ =	shalt  }
0x40: {  	_ =	shalt  }
0x41: {  	_ =	shalt  }
0x42: {  	_ =	shalt  }
0x43: {  	_ =	shalt  }
0x44: {  	_ =	shalt  }
0x45: {  	_ =	shalt  }
0x46: {  	_ =	shalt  }
0x47: {  	_ =	shalt  }
0x48: {  	_ =	shalt  }
0x49: {  	_ =	shalt  }
0x4a: {  	_ =	shalt  }
0x4b: {  	_ =	shalt  }
0x4c: {  	_ =	shalt  }
0x4d: {  	_ =	shalt  }
0x4e: {  	_ =	shalt  }
0x4f: {  	_ =	shalt  }
0x50: {  	_ =	shalt  }
0x51: {  	_ =	shalt  }
0x52: {  	_ =	shalt  }
0x53: {  	_ =	shalt  }
0x54: {  	_ =	shalt  }
0x55: {  	_ =	shalt  }
0x56: {  	_ =	shalt  }
0x57: {  	_ =	shalt  }
0x58: {  	_ =	shalt  }
0x59: {  	_ =	shalt  }
0x5a: {  	_ =	shalt  }
0x5b: {  	_ =	shalt  }
0x5c: {  	_ =	shalt  }
0x5d: {  	_ =	shalt  }
0x5e: {  	_ =	shalt  }
0x5f: {  	_ =	shalt  }
0x60: {  	_ =	shalt  }
0x61: {  	_ =	shalt  }
0x62: {  	_ =	shalt  }
0x63: {  	_ =	shalt  }
0x64: {  	_ =	shalt  }
0x65: {  	_ =	shalt  }
0x66: {  	_ =	shalt  }
0x67: {  	_ =	shalt  }
0x68: {  	_ =	shalt  }
0x69: {  	_ =	shalt  }
0x6a: {  	_ =	shalt  }
0x6b: {  	_ =	shalt  }
0x6c: {  	_ =	shalt  }
0x6d: {  	_ =	shalt  }
0x6e: {  	_ =	shalt  }
0x6f: {  	_ =	shalt  }
0x70: {  	_ =	shalt  }
0x71: {  	_ =	shalt  }
0x72: {  	_ =	shalt  }
0x73: {  	_ =	shalt  }
0x74: {  	_ =	shalt  }
0x75: {  	_ =	shalt  }
0x76: {  	_ =	shalt  }
0x77: {  	_ =	shalt  }
0x78: {  	_ =	shalt  }
0x79: {  	_ =	shalt  }
0x7a: {  	_ =	shalt  }
0x7b: {  	_ =	shalt  }
0x7c: {  	_ =	shalt  }
0x7d: {  	_ =	shalt  }
0x7e: {  	_ =	shalt  }
0x7f: {  	_ =	shalt  }
0x80: {  	_ =	shalt  }
0x81: {  	_ =	shalt  }
0x82: {  	_ =	shalt  }
0x83: {  	_ =	shalt  }
0x84: {  	_ =	shalt  }
0x85: {  	_ =	shalt  }
0x86: {  	_ =	shalt  }
0x87: {  	_ =	shalt  }
.Lfunc_end0:
.L_simem_size_0:
called_computation_lowered:
.L_overlay_start_0:
0x88: {  	s2 =	sld [smem:$0x3FD9]  }
0x89: {  	s3 =	sld [smem:$0x3FFE];
	_ =	sdelay $0x1  }
0x8a: {  	s1 =	srdreg.scid  }
0x8b: {  	s0 =	sand.u32 $0x1, s1  }
0x8c: {  	s17 =	sshll.u32 s0, $0xA;
	s2 =	sadd.s32 s3, s2  }
0x8d: {  	s2 =	sadd.s32 s2, s17  }
0x8e: {  	[smem:$0x3FBC] =	sst s2  }
0x8f: {  	_ = 	snop  }
0x90: {  	s2 =	sld [smem:$0x3FD0];
	(tm) =	ssettm $0x1  }
0x91: {  	s18 =	sld [smem:$0x3FFB];
	_ =	sdelay $0x3  }
0x92: {  	_ =	strace s18  }
0x93: {  	s3 =	sld [smem:$0x3FFC];
	_ =	sdelay $0x3  }
0x94: {  	_ =	strace s3  }
0x95: {  	s3 =	sld [smem:$0x3FFD];
	_ =	sdelay $0x3  }
0x96: {  	_ =	strace s3  }
0x97: {  	_ =	strace $0x8FFFFFFF  }
0x98: {  	s19 =	sld [smem:$0x3FDB];
	_ =	sdelay $0x1  }
0x99: {  	s4 =	simm.s32 $_scs_section_size  }
0x9a: {  	s5 =	simm.s32 $_size__tile_overlayer_lowered;
	s6 =	simm.s32 $_tile_overlayer_lowered  }
0x9b: {  	s22 =	simm.s32 $0x1BFF;
	s21 =	sshll.u32 s6, $0x1;
	s3 =	sadd.s32 s4, s19  }
0x9c: {  	s7 =	simm.s32 $0x0;
	s20 =	sshll.u32 s5, $0x1;
	s5 =	sadd.s32 s21, s3  }
0x9d: {  	[timem:s7], [sflag:s22] =	dma.local [hbm:s5], s20  }
0x9e: {  	_ =	swait.ge [sflag:s22], s20  }
0x9f: {  	s4 =	ssub.s32 $0x0, s20;
	[sflag:s22] =	ssyncset.done $0x0  }
0xa0: {  	[sflag:s22] =	ssyncadd.s32 s4;
	_ =	sdelay $0x1  }
0xa1: {  	s23 =	simm.s32 $0x1B8B  }
0xa2: {  	_ =	swait.ge [sflag:s23], $0x1  }
0xa3: {  	[sflag:s23] =	ssyncset.done $0x0  }
0xa4: {  	s25 =	simm.s32 $0x1B8E;
	s24 =	sld [smem:$0x3FFE];
	[sflag:s23] =	ssyncadd.s32 $0xFFFFFFFF  }
0xa5: {  	s26 =	simm.s32 $execute0_lowered;
	[smem:$0x3FD2] =	sst s25  }
0xa6: {  	s5 =	sshll.u32 s26, $0x1;
	_ =	strace $0x80000046;
	[dreg:$0x1] =	wrdreg $0xFFFFFFFF  }
0xa7: {  	s28 =	simm.s32 $_size_execute0_lowered;
	s3 =	sadd.s32 s3, s5;
	[dreg:$0x0] =	wrdreg $0x0  }
0xa8: {  	s5 =	sshll.u32 s28, $0x1;
	[dreg:$0x2] =	wrdreg s3  }
0xa9: {  	[dreg:$0x3] =	wrdreg s5  }
0xaa: {  	[dreg:$0x4] =	wrdreg $0xC0  }
0xab: {  	_ =	task [dreg:s7], $0x5FFFF  }
0xac: {  	[dreg:$0x1] =	wrdreg $0xFFFFFFFF  }
0xad: {  	[dreg:$0x0] =	wrdreg $0x60  }
0xae: {  	[dreg:$0x2] =	wrdreg s24  }
0xaf: {  	[dreg:$0x3] =	wrdreg s2  }
0xb0: {  	[dreg:$0x4] =	wrdreg $0x69A00  }
0xb1: {  	[dreg:$0x5] =	wrdreg $0x9  }
0xb2: {  	_ =	task.clear_ibuf [dreg:s7], $0x6FFFF;
	_ =	strace $0x90000046  }
0xb3: {  	s29 =	simm.s32 $0x9;
	_ =	strace $0x80000048  }
0xb4: {  	_ =	swait.ge [sflag:s29], $0x1  }
0xb5: {  	[sflag:s29] =	ssyncadd.s32 $0xFFFFFFFF  }
0xb6: {  	_ =	strace $0x90000048  }
0xb7: {  	_ =	sfence  }
0xb8: {  	s30 =	sld [smem:$0x0];
	_ =	sdelay $0x2  }
0xb9: {  	s31 =	sshll.u32 s1, $0xD;
	s1 =	sshrl.u32 s1, $0x2  }
0xba: {  	s3 =	sand.u32 $0x4000, s31;
	s1 =	sadd.s32 s1, s30  }
0xbb: {  	s0 =	sor.u32 s3, s0;
	s1 =	sshll.u32 s1, $0x11  }
0xbc: {  	s0 =	sor.u32 s1, s0  }
0xbd: {  	s0 =	sadd.s32 $0x8F2B, s0  }
0xbe: {  	[sflag:s0] =	ssyncadd.remote.s32 $0x1  }
0xbf: {  	_ =	sfence.sel $0xFFFF  }
0xc0: {  	[dreg:$0x0] =	wrdreg $0xFFFFFFFF;
	(pc) =	sbr.abs _section_cstart, $3  }
0xc1: {  	[dreg:$0x1] =	wrdreg $0xFFFFFFFF  }
0xc2: {  	_ =	task.clear_ibuf [dreg:s7], $0x2FFFF;
	_ =	strace $0x9FFFFFFF  }
0xc3: {  	(tm) =	ssettm $0x7FFFFFFF  }
tec
execute0_lowered:
.L_overlay_start_1:
0x0: {  	(tag) =	ssettag $0x1  }
0x1: {  	s0 =	rddreg [dreg:$0x0]  }
0x2: {  	s1 =	rddreg [dreg:$0x1]  }
0x3: {  	s2 =	rddreg [dreg:$0x2]  }
0x4: {  	s3 =	simm.s32 $0x0;
	s4 =	stileid.u32;
	s9 =	srdreg.scid  }
0x5: {  	s22 =	simm.s32 $0xFA0;
	s23 =	simm.s32 $0x3;
	s28 =	simm.s32 $0x1  }
0x6: {  	s29 =	simm.s32 $0x2;
	s30 =	simm.s32 $0xF50;
	s31 =	simm.s32 $0x0  }
0x7: {  	[smem:$0x7FF] =	sst s3;
	s5 =	sadd.s32 $0xFC00, s0;
	s6 =	sadd.s32 $0xAC00, s0  }
0x8: {  	s7 =	sadd.s32 $0x5C00, s0;
	s10 =	smul.u32 $0x5A000, s4;
	s8 =	sadd.s32 $0xC00, s0  }
0x9: {  	s11 =	sadd.s32 $0x68C00, s0;
	s9 =	sand.u32 $0x1, s9;
	s20 =	smul.u32 $0x16800, s4  }
0xa: {  	s0 =	sadd.s32 $0x3BC00, s0;
	_ =	strace $0x80000047;
	[dreg:$0x4] =	wrdreg s11  }
0xb: {  	s19 =	smul.u32 $0x2710, s4;
	s24 =	ssub.s32 $0x2, s9;
	[dreg:$0x5] =	wrdreg s0  }
0xc: {  	p0 =	sne.s32 s9, $0x0;
	s10 =	sshrl.u32 s10, $0x2;
	s25 =	sshrl.u32 s24, $0x1  }
0xd: {  	s11 =	sadd.s32 s20, s2;
	s20 =	sshrl.u32 s20, $0x3;
	s10 =	sadd.s32 s10, s2  }
.Ltmp0:
0xe: {  	s0 =	ssub.s32 s24, s25;
	s24 =	simm.s32 $0x7D0;
	(pc) =	sbr.rel .LBB2_1-.Ltmp0, $4  }
0xf: {  	s25 =	simm.s32 $0x50;
	s12 =	sadd.s32 $0x2D00, s10;
	s26 =	sadd.s32 $0x5A00, s10  }
0x10: {  	s14 =	sadd.s32 $0x8700, s10;
	s15 =	sadd.s32 $0xB400, s10;
	s16 =	sadd.s32 $0xE100, s10  }
0x11: {  	s17 =	sadd.s32 $0x10E00, s10;
	s18 =	sadd.s32 $0x13B00, s10;
	[dreg:$0x6] =	wrdreg s12  }
0x12: {  	v0 =	vimm.f32 $0.0e+00;
	s21 =	smax.u32 s0, $0x1;
	[dreg:$0x7] =	wrdreg s26;
	s26 =	simm.s32 $0x3CA0  }
.LBB2_12:
0x13: {  	s0 =	sadd.s32 s0, s20;
	s4 =	stileid.u32;
	s3 =	sadd.s32 $0x1, s3  }
0x14: {  	[bflag:$0x0] =	sbarrier.arrive $0xFFFF;
	s4 =	sshll.u32 s4, $0x6;
	p1 =	sne.s32 s3, s21  }
.Ltmp1:
0x15: {  	s9 =	sshrl.u32 s11, $0x3;
	s4 =	sor.u32 $0x1C03, s4;
	(pc) =	sbr.rel @!p1 .LBB2_13-.Ltmp1, $4  }
0x16: {  	[hbm:s0], [sflag:s4] =	dma.local [spmem:s9], $0x2D00  }
0x17: {  	_ =	swait.ge [sflag:s23], $0x2D00  }
0x18: {  	[sflag:s23] =	ssyncset.done $0x0  }
0x19: {  	[sflag:s23] =	ssyncadd.s32 $0xFFFFD300  }
.LBB2_1:
0x1a: {  	s0 =	simm.s32 $0x0;
	s9 =	simm.s32 $0x240  }
.LBB2_2:
0x1b: {  	p1 =	sne.s32 s9, $0xB1C0;
	[tilespmem:s0+$0x1020] =	vst v0  }
0x1c: {  	[tilespmem:s0+$0xFA0] =	vst v0  }
0x1d: {  	[tilespmem:s0+$0xFB0] =	vst v0  }
0x1e: {  	[tilespmem:s0+$0xFC0] =	vst v0  }
.Ltmp2:
0x1f: {  	[tilespmem:s0+$0xFD0] =	vst v0;
	(pc) =	sbr.rel @p1 .LBB2_2-.Ltmp2, $4  }
0x20: {  	[tilespmem:s0+$0xFE0] =	vst v0  }
0x21: {  	[tilespmem:s0+$0xFF0] =	vst v0  }
0x22: {  	[tilespmem:s0+$0x1000] =	vst v0  }
0x23: {  	[tilespmem:s0+$0x1010] =	vst v0;
	s0 =	sshra.s32 s9, $0x2;
	s9 =	sadd.s32 $0x240, s9  }
0x24: {  	[tilespmem:s0+$0x1020] =	vst v0  }
0x25: {  	[tilespmem:s0+$0xFA0] =	vst v0  }
0x26: {  	[tilespmem:s0+$0xFB0] =	vst v0  }
0x27: {  	[tilespmem:s0+$0xFC0] =	vst v0  }
0x28: {  	[tilespmem:s0+$0xFD0] =	vst v0  }
0x29: {  	[tilespmem:s0+$0xFE0] =	vst v0  }
0x2a: {  	[tilespmem:s0+$0xFF0] =	vst v0  }
0x2b: {  	[tilespmem:s0+$0x1000] =	vst v0  }
0x2c: {  	[tilespmem:s0+$0x1010] =	vst v0  }
0x2d: {  	[spmem:s11] =	stream.linear.scatter [tilespmem:s22], [sflag:$0x3], $0x2D00, $0x38;
	[tilespmem:$0x1D1A0] =	vst v63  }
0x2e: {  	_ =	swait.ge [sflag:s23], $0x2D00  }
0x2f: {  	[sflag:s23] =	ssyncset.done $0x0  }
0x30: {  	s12 =	rddreg [dreg:$0x6];
	[sflag:s23] =	ssyncadd.s32 $0xFFFFD300  }
0x31: {  	[spmem:s12] =	stream.linear.scatter [tilespmem:s22], [sflag:$0x3], $0x2D00, $0x38;
	[tilespmem:$0x1D1A0] =	vst v63  }
0x32: {  	_ =	swait.ge [sflag:s23], $0x2D00  }
0x33: {  	[sflag:s23] =	ssyncset.done $0x0  }
0x34: {  	s13 =	rddreg [dreg:$0x7];
	[sflag:s23] =	ssyncadd.s32 $0xFFFFD300  }
0x35: {  	[spmem:s13] =	stream.linear.scatter [tilespmem:s22], [sflag:$0x3], $0x2D00, $0x38;
	[tilespmem:$0x1D1A0] =	vst v63  }
0x36: {  	_ =	swait.ge [sflag:s23], $0x2D00  }
0x37: {  	[sflag:s23] =	ssyncset.done $0x0  }
0x38: {  	[sflag:s23] =	ssyncadd.s32 $0xFFFFD300  }
0x39: {  	[spmem:s14] =	stream.linear.scatter [tilespmem:s22], [sflag:$0x3], $0x2D00, $0x38;
	[tilespmem:$0x1D1A0] =	vst v63  }
0x3a: {  	_ =	swait.ge [sflag:s23], $0x2D00  }
0x3b: {  	[sflag:s23] =	ssyncset.done $0x0  }
0x3c: {  	[sflag:s23] =	ssyncadd.s32 $0xFFFFD300  }
0x3d: {  	[spmem:s15] =	stream.linear.scatter [tilespmem:s22], [sflag:$0x3], $0x2D00, $0x38;
	[tilespmem:$0x1D1A0] =	vst v63  }
0x3e: {  	_ =	swait.ge [sflag:s23], $0x2D00  }
0x3f: {  	[sflag:s23] =	ssyncset.done $0x0  }
0x40: {  	[sflag:s23] =	ssyncadd.s32 $0xFFFFD300  }
0x41: {  	[spmem:s16] =	stream.linear.scatter [tilespmem:s22], [sflag:$0x3], $0x2D00, $0x38;
	[tilespmem:$0x1D1A0] =	vst v63  }
0x42: {  	_ =	swait.ge [sflag:s23], $0x2D00  }
0x43: {  	[sflag:s23] =	ssyncset.done $0x0  }
0x44: {  	[sflag:s23] =	ssyncadd.s32 $0xFFFFD300  }
0x45: {  	[spmem:s17] =	stream.linear.scatter [tilespmem:s22], [sflag:$0x3], $0x2D00, $0x38;
	[tilespmem:$0x1D1A0] =	vst v63  }
0x46: {  	_ =	swait.ge [sflag:s23], $0x2D00  }
0x47: {  	[sflag:s23] =	ssyncset.done $0x0  }
0x48: {  	[sflag:s23] =	ssyncadd.s32 $0xFFFFD300  }
0x49: {  	[spmem:s18] =	stream.linear.scatter [tilespmem:s22], [sflag:$0x3], $0x2D00, $0x38;
	[tilespmem:$0x1D1A0] =	vst v63  }
.Ltmp3:
0x4a: {  	_ =	swait.ge [sflag:s23], $0x2D00;
	(pc) =	sbr.rel @p0 .LBB2_8-.Ltmp3, $4  }
0x4b: {  	[sflag:s23] =	ssyncset.done $0x0  }
0x4c: {  	[sflag:s23] =	ssyncadd.s32 $0xFFFFD300  }
0x4d: {  	[bflag:$0x0] =	sbarrier.arrive $0xFFFF  }
0x4e: {  	s0 =	simm.s32 $0x0;
	s9 =	simm.s32 $0x0  }
.LBB2_4:
0x4f: {  	s9 =	smul.u32 $0x7D0, s0;
	_ =	sdelay $0x1  }
0x50: {  	s9 =	sadd.s32 s19, s9  }
0x51: {  	s9 =	sshrl.u32 s9, $0x3  }
0x52: {  	s10 =	sadd.s32 s6, s9  }
0x53: {  	[tilespmem:s31], [sflag:$0x3] =	stream.linear.gather [hbm4b:s10+s31], $0x7D0, $0x38;
	[tilespmem:$0x1D1A0] =	vst v63  }
0x54: {  	_ =	swait.ge [sflag:s23], $0x7D0  }
0x55: {  	[sflag:s23] =	ssyncset.done $0x0  }
0x56: {  	s9 =	sadd.s32 s1, s9;
	[sflag:s23] =	ssyncadd.s32 $0xFFFFF830  }
0x57: {  	[tilespmem:s24], [sflag:$0x3] =	stream.linear.gather [hbm4b:s9+s31], $0x7D0, $0x38;
	[tilespmem:$0x1D1A0] =	vst v63  }
0x58: {  	_ =	swait.ge [sflag:s23], $0x7D0  }
0x59: {  	[sflag:s23] =	ssyncset.done $0x0  }
0x5a: {  	[sflag:s23] =	ssyncadd.s32 $0xFFFFF830  }
0x5b: {  	[tilespmem:s22], [sflag:$0x1] =	stream.indirect.gather [hbm4b:s5+s25], $0x90, s31, s25, $0xb8;
	[tilespmem:$0x1D1A0] =	vst v63  }
0x5c: {  	s4 =	simm.s32 $0x50  }
0x5d: {  	[tilespmem:s26], [sflag:$0x2] =	stream.indirect.gather [hbm4b:s5+s25], $0x90, s4, s25, $0xb8;
	[tilespmem:$0x1D1A0] =	vst v63  }
0x5e: {  	_ =	swait.ge [sflag:s28], $0x2D00  }
0x5f: {  	[sflag:s28] =	ssyncset.done $0x0  }
0x60: {  	s10 =	simm.s32 $0x7D0;
	[sflag:s28] =	ssyncadd.s32 $0xFFFFD300  }
0x61: {  	[spmem:s2] =	stream.indirect.scatter.add.f32 [tilespmem:s22], [sflag:$0x3], $0x90, s10, s25, $0xb8;
	[tilespmem:$0x1D1A0] =	vst v63  }
0x62: {  	_ =	swait.ge [sflag:s23], $0x2D00  }
0x63: {  	[sflag:s23] =	ssyncset.done $0x0  }
0x64: {  	s12 =	simm.s32 $0xA0;
	[sflag:s23] =	ssyncadd.s32 $0xFFFFD300  }
0x65: {  	[tilespmem:s22], [sflag:$0x1] =	stream.indirect.gather [hbm4b:s5+s25], $0x90, s12, s25, $0xb8;
	[tilespmem:$0x1D1A0] =	vst v63  }
0x66: {  	_ =	swait.ge [sflag:s29], $0x2D00  }
0x67: {  	[sflag:s29] =	ssyncset.done $0x0  }
0x68: {  	s13 =	simm.s32 $0x820;
	[sflag:s29] =	ssyncadd.s32 $0xFFFFD300  }
0x69: {  	[spmem:s2] =	stream.indirect.scatter.add.f32 [tilespmem:s26], [sflag:$0x3], $0x90, s13, s25, $0xb8;
	[tilespmem:$0x1D1A0] =	vst v63  }
0x6a: {  	_ =	swait.ge [sflag:s23], $0x2D00  }
0x6b: {  	s9 =	simm.s32 $0xA0;
	s10 =	simm.s32 $0x500;
	[sflag:s23] =	ssyncset.done $0x0  }
.LBB2_5:
0x6c: {  	s4 =	sadd.s32 $0x50, s9  }
0x6d: {  	[sflag:s23] =	ssyncadd.s32 $0xFFFFD300;
	s12 =	smov.u32 s10;
	s13 =	sadd.s32 $0x280, s10  }
0x6e: {  	[tilespmem:s26], [sflag:$0x2] =	stream.indirect.gather [hbm4b:s5+s25], $0x90, s4, s25, $0xb8;
	[tilespmem:$0x1D1A0] =	vst v63  }
0x6f: {  	p1 =	sne.s32 s10, $0x1B80;
	_ =	swait.ge [sflag:s28], $0x2D00  }
0x70: {  	[sflag:s28] =	ssyncset.done $0x0  }
0x71: {  	s4 =	sadd.s32 $0x7D0, s9;
	[sflag:s28] =	ssyncadd.s32 $0xFFFFD300  }
0x72: {  	[spmem:s2] =	stream.indirect.scatter.add.f32 [tilespmem:s22], [sflag:$0x3], $0x90, s4, s25, $0xb8;
	[tilespmem:$0x1D1A0] =	vst v63  }
0x73: {  	_ =	swait.ge [sflag:s23], $0x2D00  }
0x74: {  	[sflag:s23] =	ssyncset.done $0x0  }
0x75: {  	s4 =	sadd.s32 $0xA0, s9;
	[sflag:s23] =	ssyncadd.s32 $0xFFFFD300  }
0x76: {  	[tilespmem:s22], [sflag:$0x1] =	stream.indirect.gather [hbm4b:s5+s25], $0x90, s4, s25, $0xb8;
	[tilespmem:$0x1D1A0] =	vst v63  }
0x77: {  	_ =	swait.ge [sflag:s29], $0x2D00  }
.Ltmp4:
0x78: {  	[sflag:s29] =	ssyncset.done $0x0;
	(pc) =	sbr.rel @p1 .LBB2_5-.Ltmp4, $4  }
0x79: {  	s4 =	sadd.s32 $0x820, s9;
	[sflag:s29] =	ssyncadd.s32 $0xFFFFD300  }
0x7a: {  	[spmem:s2] =	stream.indirect.scatter.add.f32 [tilespmem:s26], [sflag:$0x3], $0x90, s4, s25, $0xb8;
	[tilespmem:$0x1D1A0] =	vst v63  }
0x7b: {  	_ =	swait.ge [sflag:s23], $0x2D00  }
0x7c: {  	s10 =	smov.u32 s13;
	s9 =	sshra.s32 s12, $0x2;
	[sflag:s23] =	ssyncset.done $0x0  }
0x7d: {  	s4 =	sadd.s32 $0x50, s9;
	[sflag:s23] =	ssyncadd.s32 $0xFFFFD300  }
0x7e: {  	[tilespmem:s26], [sflag:$0x2] =	stream.indirect.gather [hbm4b:s5+s25], $0x90, s4, s25, $0xb8;
	[tilespmem:$0x1D1A0] =	vst v63  }
0x7f: {  	_ =	swait.ge [sflag:s28], $0x2D00  }
0x80: {  	[sflag:s28] =	ssyncset.done $0x0  }
0x81: {  	s10 =	sadd.s32 $0x7D0, s9;
	[sflag:s28] =	ssyncadd.s32 $0xFFFFD300  }
0x82: {  	[spmem:s2] =	stream.indirect.scatter.add.f32 [tilespmem:s22], [sflag:$0x3], $0x90, s10, s25, $0xb8;
	[tilespmem:$0x1D1A0] =	vst v63  }
0x83: {  	_ =	swait.ge [sflag:s23], $0x2D00  }
0x84: {  	[sflag:s23] =	ssyncset.done $0x0  }
0x85: {  	s12 =	sadd.s32 $0xA0, s9;
	[sflag:s23] =	ssyncadd.s32 $0xFFFFD300  }
0x86: {  	[tilespmem:s22], [sflag:$0x1] =	stream.indirect.gather [hbm4b:s5+s25], $0x90, s12, s25, $0xb8;
	[tilespmem:$0x1D1A0] =	vst v63  }
0x87: {  	_ =	swait.ge [sflag:s29], $0x2D00  }
0x88: {  	[sflag:s29] =	ssyncset.done $0x0  }
0x89: {  	s13 =	sadd.s32 $0x820, s9;
	[sflag:s29] =	ssyncadd.s32 $0xFFFFD300  }
0x8a: {  	[spmem:s2] =	stream.indirect.scatter.add.f32 [tilespmem:s26], [sflag:$0x3], $0x90, s13, s25, $0xb8;
	[tilespmem:$0x1D1A0] =	vst v63  }
0x8b: {  	_ =	swait.ge [sflag:s23], $0x2D00  }
0x8c: {  	[sflag:s23] =	ssyncset.done $0x0  }
0x8d: {  	[sflag:s23] =	ssyncadd.s32 $0xFFFFD300  }
0x8e: {  	s0 =	sadd.s32 $0x1, s0;
	_ =	swait.ge [sflag:s28], $0x2D00  }
0x8f: {  	p1 =	seq.s32 s0, $0x5;
	[sflag:s28] =	ssyncset.done $0x0  }
.Ltmp5:
0x90: {  	[sflag:s28] =	ssyncadd.s32 $0xFFFFD300;
	(pc) =	sbr.rel @!p1 .LBB2_4-.Ltmp5, $4  }
0x91: {  	[spmem:s2] =	stream.indirect.scatter.add.f32 [tilespmem:s22], [sflag:$0x3], $0x90, s30, s25, $0xb8;
	[tilespmem:$0x1D1A0] =	vst v63  }
0x92: {  	_ =	swait.ge [sflag:s23], $0x2D00  }
0x93: {  	[sflag:s23] =	ssyncset.done $0x0  }
0x94: {  	[sflag:s23] =	ssyncadd.s32 $0xFFFFD300  }
.Ltmp6:
0x95: {  	(pc) =	sbr.rel .LBB2_12-.Ltmp6, $2  }
0x96: {  	_ =	sdelay $0x2  }
0x97: {  	s0 =	rddreg [dreg:$0x4]  }
.LBB2_8:
0x98: {  	s0 =	smul.u32 $0x7D0, s9;
	_ =	sdelay $0x1  }
0x99: {  	s0 =	sadd.s32 s19, s0  }
0x9a: {  	s0 =	sshrl.u32 s0, $0x3  }
0x9b: {  	s4 =	sadd.s32 s7, s0  }
0x9c: {  	[tilespmem:s31], [sflag:$0x3] =	stream.linear.gather [hbm4b:s4+s31], $0x7D0, $0x38;
	[tilespmem:$0x1D1A0] =	vst v63  }
0x9d: {  	_ =	swait.ge [sflag:s23], $0x7D0  }
0x9e: {  	[sflag:s23] =	ssyncset.done $0x0  }
0x9f: {  	s0 =	sadd.s32 s8, s0;
	[sflag:s23] =	ssyncadd.s32 $0xFFFFF830  }
0xa0: {  	[tilespmem:s24], [sflag:$0x3] =	stream.linear.gather [hbm4b:s0+s31], $0x7D0, $0x38;
	[tilespmem:$0x1D1A0] =	vst v63  }
0xa1: {  	_ =	swait.ge [sflag:s23], $0x7D0  }
0xa2: {  	[sflag:s23] =	ssyncset.done $0x0  }
0xa3: {  	[sflag:s23] =	ssyncadd.s32 $0xFFFFF830  }
0xa4: {  	[tilespmem:s22], [sflag:$0x1] =	stream.indirect.gather [hbm4b:s5+s25], $0x90, s31, s25, $0xb8;
	[tilespmem:$0x1D1A0] =	vst v63  }
0xa5: {  	s4 =	simm.s32 $0x50  }
0xa6: {  	[tilespmem:s26], [sflag:$0x2] =	stream.indirect.gather [hbm4b:s5+s25], $0x90, s4, s25, $0xb8;
	[tilespmem:$0x1D1A0] =	vst v63  }
0xa7: {  	_ =	swait.ge [sflag:s28], $0x2D00  }
0xa8: {  	[sflag:s28] =	ssyncset.done $0x0  }
0xa9: {  	s10 =	simm.s32 $0x7D0;
	[sflag:s28] =	ssyncadd.s32 $0xFFFFD300  }
0xaa: {  	[spmem:s2] =	stream.indirect.scatter.add.f32 [tilespmem:s22], [sflag:$0x3], $0x90, s10, s25, $0xb8;
	[tilespmem:$0x1D1A0] =	vst v63  }
0xab: {  	_ =	swait.ge [sflag:s23], $0x2D00  }
0xac: {  	[sflag:s23] =	ssyncset.done $0x0  }
0xad: {  	s12 =	simm.s32 $0xA0;
	[sflag:s23] =	ssyncadd.s32 $0xFFFFD300  }
0xae: {  	[tilespmem:s22], [sflag:$0x1] =	stream.indirect.gather [hbm4b:s5+s25], $0x90, s12, s25, $0xb8;
	[tilespmem:$0x1D1A0] =	vst v63  }
0xaf: {  	_ =	swait.ge [sflag:s29], $0x2D00  }
0xb0: {  	[sflag:s29] =	ssyncset.done $0x0  }
0xb1: {  	s13 =	simm.s32 $0x820;
	[sflag:s29] =	ssyncadd.s32 $0xFFFFD300  }
0xb2: {  	[spmem:s2] =	stream.indirect.scatter.add.f32 [tilespmem:s26], [sflag:$0x3], $0x90, s13, s25, $0xb8;
	[tilespmem:$0x1D1A0] =	vst v63  }
0xb3: {  	_ =	swait.ge [sflag:s23], $0x2D00  }
0xb4: {  	s0 =	simm.s32 $0xA0;
	s10 =	simm.s32 $0x500;
	[sflag:s23] =	ssyncset.done $0x0  }
.LBB2_9:
0xb5: {  	s4 =	sadd.s32 $0x50, s0  }
0xb6: {  	[sflag:s23] =	ssyncadd.s32 $0xFFFFD300;
	s12 =	smov.u32 s10;
	s13 =	sadd.s32 $0x280, s10  }
0xb7: {  	[tilespmem:s26], [sflag:$0x2] =	stream.indirect.gather [hbm4b:s5+s25], $0x90, s4, s25, $0xb8;
	[tilespmem:$0x1D1A0] =	vst v63  }
0xb8: {  	p1 =	sne.s32 s10, $0x1B80;
	_ =	swait.ge [sflag:s28], $0x2D00  }
0xb9: {  	[sflag:s28] =	ssyncset.done $0x0  }
0xba: {  	s4 =	sadd.s32 $0x7D0, s0;
	[sflag:s28] =	ssyncadd.s32 $0xFFFFD300  }
0xbb: {  	[spmem:s2] =	stream.indirect.scatter.add.f32 [tilespmem:s22], [sflag:$0x3], $0x90, s4, s25, $0xb8;
	[tilespmem:$0x1D1A0] =	vst v63  }
0xbc: {  	_ =	swait.ge [sflag:s23], $0x2D00  }
0xbd: {  	[sflag:s23] =	ssyncset.done $0x0  }
0xbe: {  	s4 =	sadd.s32 $0xA0, s0;
	[sflag:s23] =	ssyncadd.s32 $0xFFFFD300  }
0xbf: {  	[tilespmem:s22], [sflag:$0x1] =	stream.indirect.gather [hbm4b:s5+s25], $0x90, s4, s25, $0xb8;
	[tilespmem:$0x1D1A0] =	vst v63  }
0xc0: {  	_ =	swait.ge [sflag:s29], $0x2D00  }
.Ltmp7:
0xc1: {  	[sflag:s29] =	ssyncset.done $0x0;
	(pc) =	sbr.rel @p1 .LBB2_9-.Ltmp7, $4  }
0xc2: {  	s0 =	sadd.s32 $0x820, s0;
	[sflag:s29] =	ssyncadd.s32 $0xFFFFD300  }
0xc3: {  	[spmem:s2] =	stream.indirect.scatter.add.f32 [tilespmem:s26], [sflag:$0x3], $0x90, s0, s25, $0xb8;
	[tilespmem:$0x1D1A0] =	vst v63  }
0xc4: {  	_ =	swait.ge [sflag:s23], $0x2D00  }
0xc5: {  	s10 =	smov.u32 s13;
	s0 =	sshra.s32 s12, $0x2;
	[sflag:s23] =	ssyncset.done $0x0  }
0xc6: {  	s4 =	sadd.s32 $0x50, s0;
	[sflag:s23] =	ssyncadd.s32 $0xFFFFD300  }
0xc7: {  	[tilespmem:s26], [sflag:$0x2] =	stream.indirect.gather [hbm4b:s5+s25], $0x90, s4, s25, $0xb8;
	[tilespmem:$0x1D1A0] =	vst v63  }
0xc8: {  	_ =	swait.ge [sflag:s28], $0x2D00  }
0xc9: {  	[sflag:s28] =	ssyncset.done $0x0  }
0xca: {  	s10 =	sadd.s32 $0x7D0, s0;
	[sflag:s28] =	ssyncadd.s32 $0xFFFFD300  }
0xcb: {  	[spmem:s2] =	stream.indirect.scatter.add.f32 [tilespmem:s22], [sflag:$0x3], $0x90, s10, s25, $0xb8;
	[tilespmem:$0x1D1A0] =	vst v63  }
0xcc: {  	_ =	swait.ge [sflag:s23], $0x2D00  }
0xcd: {  	[sflag:s23] =	ssyncset.done $0x0  }
0xce: {  	s12 =	sadd.s32 $0xA0, s0;
	[sflag:s23] =	ssyncadd.s32 $0xFFFFD300  }
0xcf: {  	[tilespmem:s22], [sflag:$0x1] =	stream.indirect.gather [hbm4b:s5+s25], $0x90, s12, s25, $0xb8;
	[tilespmem:$0x1D1A0] =	vst v63  }
0xd0: {  	_ =	swait.ge [sflag:s29], $0x2D00  }
0xd1: {  	[sflag:s29] =	ssyncset.done $0x0  }
0xd2: {  	s13 =	sadd.s32 $0x820, s0;
	[sflag:s29] =	ssyncadd.s32 $0xFFFFD300  }
0xd3: {  	[spmem:s2] =	stream.indirect.scatter.add.f32 [tilespmem:s26], [sflag:$0x3], $0x90, s13, s25, $0xb8;
	[tilespmem:$0x1D1A0] =	vst v63  }
0xd4: {  	_ =	swait.ge [sflag:s23], $0x2D00  }
0xd5: {  	[sflag:s23] =	ssyncset.done $0x0  }
0xd6: {  	[sflag:s23] =	ssyncadd.s32 $0xFFFFD300  }
0xd7: {  	s9 =	sadd.s32 $0x1, s9;
	_ =	swait.ge [sflag:s28], $0x2D00  }
0xd8: {  	p1 =	sne.s32 s9, $0x5;
	[sflag:s28] =	ssyncset.done $0x0  }
.Ltmp8:
0xd9: {  	[sflag:s28] =	ssyncadd.s32 $0xFFFFD300;
	(pc) =	sbr.rel @p1 .LBB2_8-.Ltmp8, $4  }
0xda: {  	[spmem:s2] =	stream.indirect.scatter.add.f32 [tilespmem:s22], [sflag:$0x3], $0x90, s30, s25, $0xb8;
	[tilespmem:$0x1D1A0] =	vst v63  }
0xdb: {  	_ =	swait.ge [sflag:s23], $0x2D00  }
0xdc: {  	[sflag:s23] =	ssyncset.done $0x0  }
0xdd: {  	[sflag:s23] =	ssyncadd.s32 $0xFFFFD300  }
.Ltmp9:
0xde: {  	(pc) =	sbr.rel .LBB2_12-.Ltmp9, $2  }
0xdf: {  	_ =	sdelay $0x2  }
0xe0: {  	s0 =	rddreg [dreg:$0x5]  }
.LBB2_13:
0xe1: {  	_ =	sfence.sel $0x180000  }
0xe2: {  	[bflag:$0x0] =	sbarrier.arrive $0xFFFF  }
0xe3: {  	_ =	strace $0x90000047  }
0xe4: {  	s0 =	stileid.u32;
	[bflag:$0x2] =	sbarrier.arrive $0xFFFF  }
0xe5: {  	p0 =	sne.s32 s0, $0x0;
	s0 =	rddreg [dreg:$0x3]  }
0xe6: {  	s0 =	sadd.s32 @!p0 $0x100000, s0  }
0xe7: {  	[sflag:s0] =	ssyncadd.tile.s32 @!p0 $0x1;
	_ =	shalt  }
.Lfunc_end2:
_tile_overlayer_lowered:
.L_overlay_start_2:
0xe8: {  	(tag) =	ssettag $0x2  }
0xe9: {  	s0 =	rddreg [dreg:$0x0];
	s2 =	stileid.u32  }
0xea: {  	s1 =	rddreg [dreg:$0x1];
	p0 =	sne.s32 s2, $0x0  }
0xeb: {  	s3 =	rddreg [dreg:$0x2];
	[bflag:$0x3] =	sbarrier.arrive $0xFFFF;
	s2 =	simm.s32 @!p0 $0x1C03  }
0xec: {  	[timem:s3], [sflag:s2] =	dma.local @!p0 [hbm:s0], s1  }
0xed: {  	s0 =	simm.s32 @!p0 $0x3  }
0xee: {  	_ =	swait.ge @!p0 [sflag:s0], s1  }
0xef: {  	s1 =	ssub.s32 @!p0 $0x0, s1;
	[sflag:s0] =	ssyncset.done @!p0 $0x0  }
0xf0: {  	[sflag:s0] =	ssyncadd.s32 @!p0 s1  }
0xf1: {  	[bflag:$0x3] =	sbarrier.arrive $0xFFFF  }
0xf2: {  	_ =	shalt  }

</sc_bundles>
